<compile_context>
chip_gen: v7x
topology: tpu7x:2x2x1
jax: 0.10.2.dev20260603
libtpu: 0.0.44.dev20260713+nightly
codegen_flags: <defaults>
</compile_context>

<pallas_src>
import functools

import jax
import jax.numpy as jnp
from jax import lax
from jax.experimental import pallas as pl
from jax.experimental.pallas import tpu as pltpu
from jax.experimental.pallas import tpu_sc as plsc

B, T, D, H, L, E, K, V, DFF = 8, 128, 128, 4, 4, 16, 8, 262144, 512
HD = D // H
N = B * T

_NC, _NS = 2, 16
_NW = _NC * _NS
_BPW = N // _NW


def _sc_gather(table, idx):
    mesh = plsc.VectorSubcoreMesh(
        core_axis_name="c", subcore_axis_name="s",
        num_cores=_NC, num_subcores=_NS)

    @functools.partial(
        pl.kernel,
        out_type=jax.ShapeDtypeStruct((N, D), jnp.float32),
        mesh=mesh,
        scratch_types=[
            pltpu.VMEM((_BPW,), jnp.int32),
            pltpu.VMEM((_BPW, D), jnp.float32),
            pltpu.SemaphoreType.DMA,
        ],
    )
    def gather_kernel(table_hbm, idx_hbm, out_hbm, idx_v, rows_v, sem):
        wid = lax.axis_index("s") * _NC + lax.axis_index("c")
        base = wid * _BPW
        pltpu.sync_copy(idx_hbm.at[pl.ds(base, _BPW)], idx_v)
        pltpu.async_copy(table_hbm.at[idx_v], rows_v, sem).wait()
        pltpu.sync_copy(rows_v, out_hbm.at[pl.ds(base, _BPW)])

    return gather_kernel(table, idx)


def _gelu(x):
    c = 2.0 * 0.7978845608028654
    c3 = c * 0.044715
    u = x * (c3 * (x * x) + c)
    return x * jax.nn.sigmoid(u)


def _ln(x, g, b):
    m = jnp.mean(x, axis=-1, keepdims=True)
    c = x - m
    v = jnp.mean(c * c, axis=-1, keepdims=True)
    return c * lax.rsqrt(v + 1e-5) * g + b


def _tc_body(emb_ref, pos_ref, band_ref, cmask_ref,
             wqkv_ref, wo_ref, rtr_ref, w1_ref, w2_ref,
             ln0g_ref, ln0b_ref, lnag_ref, lnab_ref, lnbg_ref, lnbb_ref,
             lnfg_ref, lnfb_ref, out_ref, h_ref):
    l = pl.program_id(0)

    @pl.when(l == 0)
    def _():
        h_ref[...] = _ln(emb_ref[...] + pos_ref[...],
                         ln0g_ref[...], ln0b_ref[...])

    h = h_ref[...]
    x = _ln(h, lnag_ref[0], lnab_ref[0])
    qkv = jnp.dot(x, wqkv_ref[0], preferred_element_type=jnp.float32)
    band = band_ref[...]
    cmask = cmask_ref[...]
    obs = []
    for b in range(B):
        qb = qkv[b * T:(b + 1) * T, 0:D]
        kb = qkv[b * T:(b + 1) * T, D:2 * D]
        vb = qkv[b * T:(b + 1) * T, 2 * D:3 * D]
        qbd = jnp.concatenate([qb] * H, axis=0) * band
        att = lax.dot_general(qbd, kb, (((1,), (1,)), ((), ())),
                              preferred_element_type=jnp.float32) + cmask
        p = jax.nn.softmax(att, axis=-1)
        ofull = jnp.dot(p, vb, preferred_element_type=jnp.float32)
        obs.append(jnp.concatenate(
            [ofull[hh * T:(hh + 1) * T, hh * HD:(hh + 1) * HD]
             for hh in range(H)], axis=1))
    ob = jnp.concatenate(obs, axis=0)
    h = h + jnp.dot(ob, wo_ref[0], preferred_element_type=jnp.float32)
    h_ref[...] = h

    x = _ln(h, lnbg_ref[0], lnbb_ref[0])
    logits = jnp.dot(x, rtr_ref[0], preferred_element_type=jnp.float32)
    probs = jax.nn.softmax(logits, axis=-1)
    masked = probs
    sel = jnp.zeros_like(probs)
    pos16 = lax.broadcasted_iota(jnp.int32, (N, E), 1)
    for _ in range(K):
        m = jnp.max(masked, axis=-1, keepdims=True)
        cand = masked == m
        candpos = jnp.where(cand, pos16, E)
        first = candpos == jnp.min(candpos, axis=-1, keepdims=True)
        sel = jnp.where(first, probs, sel)
        masked = jnp.where(first, jnp.float32(-1.0), masked)
    gates = sel / (jnp.sum(sel, axis=-1, keepdims=True) + 1e-9)

    terms = [h]
    for e in range(E):
        mid = _gelu(jnp.dot(x, w1_ref[0, e],
                            preferred_element_type=jnp.float32))
        eo = jnp.dot(mid, w2_ref[0, e], preferred_element_type=jnp.float32)
        terms.append(eo * gates[:, e:e + 1])
    while len(terms) > 1:
        terms = [terms[i] + terms[i + 1] for i in range(0, len(terms) - 1, 2)] \
            + ([terms[-1]] if len(terms) % 2 else [])
    acc = terms[0]
    h_ref[...] = acc

    @pl.when(l == L - 1)
    def _():
        out_ref[...] = _ln(acc, lnfg_ref[...], lnfb_ref[...])


def _tc_forward(emb, pos_t, band, cmask, Wqkv, Wo, router, W1, W2,
                ln0g, ln0b, lnag, lnab, lnbg, lnbb, lnfg, lnfb):
    full2d = pl.BlockSpec((N, D), lambda l: (0, 0))
    stk = pl.BlockSpec((H * T, T), lambda l: (0, 0))
    perl = lambda shape: pl.BlockSpec(shape, lambda l: (l,) + (0,) * (len(shape) - 1))
    row0 = pl.BlockSpec((1, D), lambda l: (0, 0))
    rowl = pl.BlockSpec((1, 1, D), lambda l: (l, 0, 0))
    return pl.pallas_call(
        _tc_body,
        grid=(L,),
        in_specs=[
            full2d, full2d, stk, stk,
            perl((1, D, 3 * D)),
            perl((1, D, D)),
            perl((1, D, E)),
            perl((1, E, D, DFF)),
            perl((1, E, DFF, D)),
            row0, row0, rowl, rowl, rowl, rowl, row0, row0,
        ],
        out_specs=full2d,
        out_shape=jax.ShapeDtypeStruct((N, D), jnp.float32),
        scratch_shapes=[pltpu.VMEM((N, D), jnp.float32)],
    )(emb, pos_t, band, cmask, Wqkv, Wo, router, W1, W2,
      ln0g, ln0b, lnag, lnab, lnbg, lnbb, lnfg, lnfb)


def _masks():
    import numpy as np
    r = np.arange(H * T)
    band = ((r[:, None] // T) == (np.arange(D)[None, :] // HD))
    band = band.astype(np.float32) / (HD ** 0.5)
    cmask = np.where((r[:, None] % T) >= np.arange(T)[None, :],
                     0.0, -1e9).astype(np.float32)
    return jnp.asarray(band), jnp.asarray(cmask)


def kernel(input_ids, tok_emb, pos_emb, Wqkv, Wo, router, W1, W2, ln_g, ln_b):
    ids = input_ids.reshape(N).astype(jnp.int32)
    emb = _sc_gather(tok_emb, ids)
    pos_t = jnp.broadcast_to(pos_emb[None], (B, T, D)).reshape(N, D)
    band, cmask = _masks()
    out = _tc_forward(
        emb, pos_t, band, cmask, Wqkv, Wo, router,
        W1, W2,
        ln_g[0:1], ln_b[0:1],
        ln_g[1:2 * L:2].reshape(L, 1, D), ln_b[1:2 * L:2].reshape(L, 1, D),
        ln_g[2:2 * L + 1:2].reshape(L, 1, D),
        ln_b[2:2 * L + 1:2].reshape(L, 1, D),
        ln_g[2 * L + 1:], ln_b[2 * L + 1:])
    return out.reshape(B, T, D)

# --- scband reference (transcript-rebuilt; emitter-appended) ---
"""Pipeline reference for scband-antigravity-llm-46608985096882 (READ-ONLY COPY).

The authoritative reference and input builder live on the scoring server;
editing this copy changes nothing except your own understanding.
"""

import jax, jax.numpy as jnp
import numpy as np

B, T, D, H, L, E, K, V, DFF = 8, 128, 128, 4, 4, 16, 8, 262144, 512
HD = D // H


def _ln(x, g, b):
    m = x.mean(-1, keepdims=True)
    v = x.var(-1, keepdims=True)
    return (x - m) / jnp.sqrt(v + 1e-5) * g + b


def setup_inputs(seed: int = 0) -> dict:
    key = jax.random.key(seed)
    ks = jax.random.split(key, 10)
    return {
        "input_ids": jax.random.randint(ks[0], (B, T), 0, V),
        "tok_emb": jax.random.normal(ks[1], (V, D), jnp.float32) * 0.02,
        "pos_emb": jax.random.normal(ks[2], (T, D), jnp.float32) * 0.02,
        "Wqkv": jax.random.normal(ks[3], (L, D, 3 * D), jnp.float32) * 0.02,
        "Wo": jax.random.normal(ks[4], (L, D, D), jnp.float32) * 0.02,
        "router": jax.random.normal(ks[5], (L, D, E), jnp.float32) * 0.02,
        "W1": jax.random.normal(ks[6], (L, E, D, DFF), jnp.float32) * 0.02,
        "W2": jax.random.normal(ks[7], (L, E, DFF, D), jnp.float32) * 0.02,
        "ln_g": jnp.ones((2 * L + 2, D), jnp.float32),
        "ln_b": jnp.zeros((2 * L + 2, D), jnp.float32),
    }


def _forward(input_ids, tok_emb, pos_emb, Wqkv, Wo, router, W1, W2, ln_g, ln_b):
    # TokenEmbedding: learned token + positional embedding, layer-normed
    h = jnp.take(tok_emb, input_ids, axis=0) + pos_emb[None, :, :]
    h = _ln(h, ln_g[0], ln_b[0])
    causal = jnp.tril(jnp.ones((T, T), dtype=bool))
    for l in range(L):
        # multi-head causal self-attention
        x = _ln(h, ln_g[1 + 2 * l], ln_b[1 + 2 * l])
        qkv = x @ Wqkv[l]
        q, k, v = jnp.split(qkv, 3, axis=-1)
        q = q.reshape(B, T, H, HD).transpose(0, 2, 1, 3)
        k = k.reshape(B, T, H, HD).transpose(0, 2, 1, 3)
        v = v.reshape(B, T, H, HD).transpose(0, 2, 1, 3)
        att = (q @ k.transpose(0, 1, 3, 2)) / jnp.sqrt(jnp.float32(HD))
        att = jnp.where(causal[None, None, :, :], att, jnp.float32(-1e9))
        att = jax.nn.softmax(att, axis=-1)
        o = (att @ v).transpose(0, 2, 1, 3).reshape(B, T, D)
        h = h + o @ Wo[l]
        # MoE FFN with top-k routing (softmax gate, renormalized over top-k)
        x = _ln(h, ln_g[2 + 2 * l], ln_b[2 + 2 * l])
        logits = x @ router[l]
        probs = jax.nn.softmax(logits, axis=-1)
        topv, topi = jax.lax.top_k(probs, K)
        topv = topv / (topv.sum(-1, keepdims=True) + 1e-9)
        gates = (jax.nn.one_hot(topi, E, dtype=x.dtype) * topv[..., None]).sum(axis=2)
        mid = jax.nn.gelu(jnp.einsum('btd,edf->btef', x, W1[l]))
        eo = jnp.einsum('btef,efd->bted', mid, W2[l])
        moe = jnp.einsum('bted,bte->btd', eo, gates)
        h = h + moe
    return _ln(h, ln_g[2 * L + 1], ln_b[2 * L + 1])


def reference(input_ids, tok_emb, pos_emb, Wqkv, Wo, router, W1, W2, ln_g, ln_b):
    return _forward(input_ids, tok_emb, pos_emb, Wqkv, Wo, router, W1, W2, ln_g, ln_b)

if __name__ == "__main__":
    import jax
    _d = setup_inputs()
    print(jax.jit(kernel)(*tuple(_d.values())))

</pallas_src>

<mosaic_0001>
#map = affine_map<(d0, d1) -> (0, 0)>
#map1 = affine_map<(d0, d1) -> (0)>
module attributes {stable_mosaic.version = 14 : i64} {
  func.func @gather_kernel(%arg0: i32, %arg1: i32, %arg2: memref<262144x128xf32, #tpu.memory_space<hbm>>, %arg3: memref<1024xi32, #tpu.memory_space<hbm>>, %arg4: memref<1024x128xf32, #tpu.memory_space<hbm>>, %arg5: memref<32xi32, #tpu.memory_space<vmem>>, %arg6: memref<32x128xf32, #tpu.memory_space<vmem>>, %arg7: memref<!tpu.dma_semaphore, #tpu.memory_space<semaphore_mem>>) attributes {dimension_semantics = [#tpu.dimension_semantics<core_parallel>, #tpu.dimension_semantics<subcore_parallel>], iteration_bounds = array<i64: 2, 16>, scalar_prefetch = 0 : i64, scratch_operands = 3 : i64, tpu.core_type = #tpu.core_type<sc_vector_subcore>, window_params = [{transform_indices = #map}, {transform_indices = #map1}, {transform_indices = #map}]} {
    %mul3A = arith.constant 2 : i32
    %mul3A_0 = arith.muli %arg1, %mul3A : i32
    %add3A = arith.addi %mul3A_0, %arg0 : i32
    %mul3A_1 = arith.constant 32 : i32
    %mul3A_2 = arith.muli %add3A, %mul3A_1 : i32
    "tpu.region"() ({
      %run_scoped3A = tpu.sem_alloc : memref<!tpu.dma_semaphore, #tpu.memory_space<semaphore_mem>>
      %dma_start3A_7 = tpu.memref_slice %arg3[%mul3A_2] : memref<1024xi32, #tpu.memory_space<hbm>> -> memref<32xi32, #tpu.memory_space<hbm>>
      %dma_start3A_8 = tpu.memref_slice %arg3[%mul3A_2] : memref<1024xi32, #tpu.memory_space<hbm>> -> memref<32xi32, #tpu.memory_space<hbm>>
      tpu.enqueue_dma source(%dma_start3A_8 : memref<32xi32, #tpu.memory_space<hbm>>) target(%arg5 : memref<32xi32, #tpu.memory_space<vmem>>) target_semaphore(%run_scoped3A : memref<!tpu.dma_semaphore, #tpu.memory_space<semaphore_mem>>)
      %dma_wait3A_9 = tpu.memref_slice %arg3[%mul3A_2] : memref<1024xi32, #tpu.memory_space<hbm>> -> memref<32xi32, #tpu.memory_space<hbm>>
      %dma_wait3A_10 = tpu.memref_slice %arg3[%mul3A_2] : memref<1024xi32, #tpu.memory_space<hbm>> -> memref<32xi32, #tpu.memory_space<hbm>>
      tpu.wait_dma2 semaphore(%run_scoped3A : memref<!tpu.dma_semaphore, #tpu.memory_space<semaphore_mem>>) src(%dma_wait3A_10 : memref<32xi32, #tpu.memory_space<hbm>>) dst(%arg5 : memref<32xi32, #tpu.memory_space<vmem>>)
      tpu.yield
    }) : () -> ()
    %dma_start3A = arith.constant 0 : i32
    %dma_start3A_3 = arith.constant 0 : i32
    %dma_start3A_4 = tpu.memref_slice %arg2[%dma_start3A, %dma_start3A_3] : memref<262144x128xf32, #tpu.memory_space<hbm>> -> memref<262144x128xf32, #tpu.memory_space<hbm>>
    tpu.enqueue_indirect_dma source(%dma_start3A_4 : memref<262144x128xf32, #tpu.memory_space<hbm>>) target(%arg6 : memref<32x128xf32, #tpu.memory_space<vmem>>) offsets(%arg5 : memref<32xi32, #tpu.memory_space<vmem>>) semaphore(%arg7 : memref<!tpu.dma_semaphore, #tpu.memory_space<semaphore_mem>>)
    %dma_wait3A = arith.constant 0 : i32
    %dma_wait3A_5 = arith.constant 0 : i32
    %dma_wait3A_6 = tpu.memref_slice %arg2[%dma_wait3A, %dma_wait3A_5] : memref<262144x128xf32, #tpu.memory_space<hbm>> -> memref<262144x128xf32, #tpu.memory_space<hbm>>
    tpu.wait_indirect_dma semaphore(%arg7 : memref<!tpu.dma_semaphore, #tpu.memory_space<semaphore_mem>>) src(%dma_wait3A_6 : memref<262144x128xf32, #tpu.memory_space<hbm>>) dst(%arg6 : memref<32x128xf32, #tpu.memory_space<vmem>>)
    "tpu.region"() ({
      %run_scoped3A = tpu.sem_alloc : memref<!tpu.dma_semaphore, #tpu.memory_space<semaphore_mem>>
      %dma_start3A_7 = arith.constant 0 : i32
      %dma_start3A_8 = tpu.memref_slice %arg4[%mul3A_2, %dma_start3A_7] : memref<1024x128xf32, #tpu.memory_space<hbm>> -> memref<32x128xf32, #tpu.memory_space<hbm>>
      %dma_start3A_9 = arith.constant 0 : i32
      %dma_start3A_10 = tpu.memref_slice %arg4[%mul3A_2, %dma_start3A_9] : memref<1024x128xf32, #tpu.memory_space<hbm>> -> memref<32x128xf32, #tpu.memory_space<hbm>>
      tpu.enqueue_dma source(%arg6 : memref<32x128xf32, #tpu.memory_space<vmem>>) target(%dma_start3A_10 : memref<32x128xf32, #tpu.memory_space<hbm>>) target_semaphore(%run_scoped3A : memref<!tpu.dma_semaphore, #tpu.memory_space<semaphore_mem>>)
      %dma_wait3A_11 = arith.constant 0 : i32
      %dma_wait3A_12 = tpu.memref_slice %arg4[%mul3A_2, %dma_wait3A_11] : memref<1024x128xf32, #tpu.memory_space<hbm>> -> memref<32x128xf32, #tpu.memory_space<hbm>>
      %dma_wait3A_13 = arith.constant 0 : i32
      %dma_wait3A_14 = tpu.memref_slice %arg4[%mul3A_2, %dma_wait3A_13] : memref<1024x128xf32, #tpu.memory_space<hbm>> -> memref<32x128xf32, #tpu.memory_space<hbm>>
      tpu.wait_dma2 semaphore(%run_scoped3A : memref<!tpu.dma_semaphore, #tpu.memory_space<semaphore_mem>>) src(%arg6 : memref<32x128xf32, #tpu.memory_space<vmem>>) dst(%dma_wait3A_14 : memref<32x128xf32, #tpu.memory_space<hbm>>)
      tpu.yield
    }) : () -> ()
    return
  }
}

module attributes {stable_mosaic.version = 14 : i64} {
  func.func @_tc_body(%arg0: i32, %arg1: memref<1024x128xf32, #tpu.memory_space<vmem>>, %arg2: memref<1024x128xf32, #tpu.memory_space<vmem>>, %arg3: memref<512x128xf32, #tpu.memory_space<vmem>>, %arg4: memref<512x128xf32, #tpu.memory_space<vmem>>, %arg5: memref<1x128x384xf32, #tpu.memory_space<vmem>>, %arg6: memref<1x128x128xf32, #tpu.memory_space<vmem>>, %arg7: memref<1x128x16xf32, #tpu.memory_space<vmem>>, %arg8: memref<1x16x128x512xf32, #tpu.memory_space<vmem>>, %arg9: memref<1x16x512x128xf32, #tpu.memory_space<vmem>>, %arg10: memref<1x128xf32, #tpu.memory_space<vmem>>, %arg11: memref<1x128xf32, #tpu.memory_space<vmem>>, %arg12: memref<1x1x128xf32, #tpu.memory_space<vmem>>, %arg13: memref<1x1x128xf32, #tpu.memory_space<vmem>>, %arg14: memref<1x1x128xf32, #tpu.memory_space<vmem>>, %arg15: memref<1x1x128xf32, #tpu.memory_space<vmem>>, %arg16: memref<1x128xf32, #tpu.memory_space<vmem>>, %arg17: memref<1x128xf32, #tpu.memory_space<vmem>>, %arg18: memref<1024x128xf32, #tpu.memory_space<vmem>>, %arg19: memref<1024x128xf32, #tpu.memory_space<vmem>>) attributes {dimension_semantics = [#tpu.dimension_semantics<arbitrary>], iteration_bounds = array<i64: 4>, scalar_prefetch = 0 : i64, scratch_operands = 1 : i64, tpu.core_type = #tpu.core_type<tc>, window_params = [{pipeline_mode = #tpu.pipeline_mode<synchronous>, transform_indices = @transform_0, window_bounds = array<i64: 1024, 128>}, {pipeline_mode = #tpu.pipeline_mode<synchronous>, transform_indices = @transform_1, window_bounds = array<i64: 1024, 128>}, {pipeline_mode = #tpu.pipeline_mode<synchronous>, transform_indices = @transform_2, window_bounds = array<i64: 512, 128>}, {pipeline_mode = #tpu.pipeline_mode<synchronous>, transform_indices = @transform_3, window_bounds = array<i64: 512, 128>}, {transform_indices = @transform_4, window_bounds = array<i64: 1, 128, 384>}, {transform_indices = @transform_5, window_bounds = array<i64: 1, 128, 128>}, {transform_indices = @transform_6, window_bounds = array<i64: 1, 128, 16>}, {transform_indices = @transform_7, window_bounds = array<i64: 1, 16, 128, 512>}, {transform_indices = @transform_8, window_bounds = array<i64: 1, 16, 512, 128>}, {pipeline_mode = #tpu.pipeline_mode<synchronous>, transform_indices = @transform_9, window_bounds = array<i64: 1, 128>}, {pipeline_mode = #tpu.pipeline_mode<synchronous>, transform_indices = @transform_10, window_bounds = array<i64: 1, 128>}, {transform_indices = @transform_11, window_bounds = array<i64: 1, 1, 128>}, {transform_indices = @transform_12, window_bounds = array<i64: 1, 1, 128>}, {transform_indices = @transform_13, window_bounds = array<i64: 1, 1, 128>}, {transform_indices = @transform_14, window_bounds = array<i64: 1, 1, 128>}, {pipeline_mode = #tpu.pipeline_mode<synchronous>, transform_indices = @transform_15, window_bounds = array<i64: 1, 128>}, {pipeline_mode = #tpu.pipeline_mode<synchronous>, transform_indices = @transform_16, window_bounds = array<i64: 1, 128>}, {pipeline_mode = #tpu.pipeline_mode<synchronous>, transform_indices = @transform_17, window_bounds = array<i64: 1024, 128>}]} {
    %eq3A = arith.constant 0 : i32
    %eq3A_0 = arith.cmpi eq, %arg0, %eq3A : i32
    %convert_element_type3A = arith.extui %eq3A_0 : i1 to i32
    %cond3A = arith.constant 0 : i32
    %cond3A_1 = arith.cmpi ne, %convert_element_type3A, %cond3A : i32
    scf.if %cond3A_1 {
      %get3A_1075 = arith.constant 0 : index
      %get3A_1076 = arith.constant 0 : index
      %get3A_1077 = vector.load %arg1[%get3A_1075, %get3A_1076] : memref<1024x128xf32, #tpu.memory_space<vmem>>, vector<1024x128xf32>
      %get3A_1078 = arith.constant 0 : index
      %get3A_1079 = arith.constant 0 : index
      %get3A_1080 = vector.load %arg2[%get3A_1078, %get3A_1079] : memref<1024x128xf32, #tpu.memory_space<vmem>>, vector<1024x128xf32>
      %add3A_1081 = arith.addf %get3A_1077, %get3A_1080 : vector<1024x128xf32>
      %get3A_1082 = arith.constant 0 : index
      %get3A_1083 = arith.constant 0 : index
      %get3A_1084 = vector.load %arg10[%get3A_1082, %get3A_1083] : memref<1x128xf32, #tpu.memory_space<vmem>>, vector<1x128xf32>
      %get3A_1085 = arith.constant 0 : index
      %get3A_1086 = arith.constant 0 : index
      %get3A_1087 = vector.load %arg11[%get3A_1085, %get3A_1086] : memref<1x128xf32, #tpu.memory_space<vmem>>, vector<1x128xf32>
      %reduce_sum3A_1088 = arith.constant dense<0.000000e+00> : vector<1024xf32>
      %reduce_sum3A_1089 = vector.multi_reduction <add>, %add3A_1081, %reduce_sum3A_1088 [1] : vector<1024x128xf32> to vector<1024xf32>
      %broadcast_in_dim3A_1090 = vector.shape_cast %reduce_sum3A_1089 : vector<1024xf32> to vector<1024x1xf32>
      %div3A_1091 = arith.constant 1.280000e+02 : f32
      %div3A_1092 = vector.broadcast %div3A_1091 : f32 to vector<1024x1xf32>
      %div3A_1093 = arith.divf %broadcast_in_dim3A_1090, %div3A_1092 : vector<1024x1xf32>
      %jit3A_1094 = arith.constant 0 : i32
      %reduce_sum3A_1095 = arith.constant dense<0.000000e+00> : vector<1024xf32>
      %reduce_sum3A_1096 = vector.multi_reduction <add>, %add3A_1081, %reduce_sum3A_1095 [1] : vector<1024x128xf32> to vector<1024xf32>
      %broadcast_in_dim3A_1097 = vector.shape_cast %reduce_sum3A_1096 : vector<1024xf32> to vector<1024x1xf32>
      %div3A_1098 = arith.constant 1.280000e+02 : f32
      %div3A_1099 = vector.broadcast %div3A_1098 : f32 to vector<1024x1xf32>
      %div3A_1100 = arith.divf %broadcast_in_dim3A_1097, %div3A_1099 : vector<1024x1xf32>
      %sub3A_1101 = vector.broadcast %div3A_1100 : vector<1024x1xf32> to vector<1024x128xf32>
      %sub3A_1102 = arith.subf %add3A_1081, %sub3A_1101 : vector<1024x128xf32>
      %square3A_1103 = arith.mulf %sub3A_1102, %sub3A_1102 : vector<1024x128xf32>
      %convert_element_type3A_1104 = arith.sitofp %jit3A_1094 : i32 to f32
      %sub3A_1105 = arith.constant 1.280000e+02 : f32
      %sub3A_1106 = arith.subf %sub3A_1105, %convert_element_type3A_1104 : f32
      %reduce_sum3A_1107 = arith.constant dense<0.000000e+00> : vector<1024xf32>
      %reduce_sum3A_1108 = vector.multi_reduction <add>, %square3A_1103, %reduce_sum3A_1107 [1] : vector<1024x128xf32> to vector<1024xf32>
      %broadcast_in_dim3A_1109 = vector.shape_cast %reduce_sum3A_1108 : vector<1024xf32> to vector<1024x1xf32>
      %div3A_1110 = vector.broadcast %sub3A_1106 : f32 to vector<1024x1xf32>
      %div3A_1111 = arith.divf %broadcast_in_dim3A_1109, %div3A_1110 : vector<1024x1xf32>
      %gt3A_1112 = arith.constant 0.000000e+00 : f32
      %gt3A_1113 = arith.cmpf ogt, %sub3A_1106, %gt3A_1112 : f32
      %jit3A_1114 = arith.constant 0x7FC00000 : f32
      %broadcast_in_dim3A_1115 = vector.broadcast %jit3A_1114 : f32 to vector<1024x1xf32>
      %select_n3A_1116 = arith.select %gt3A_1113, %div3A_1111, %broadcast_in_dim3A_1115 : vector<1024x1xf32>
      %sub3A_1117 = vector.broadcast %div3A_1093 : vector<1024x1xf32> to vector<1024x128xf32>
      %sub3A_1118 = arith.subf %add3A_1081, %sub3A_1117 : vector<1024x128xf32>
      %add3A_1119 = arith.constant 9.99999974E-6 : f32
      %add3A_1120 = vector.broadcast %add3A_1119 : f32 to vector<1024x1xf32>
      %add3A_1121 = arith.addf %select_n3A_1116, %add3A_1120 : vector<1024x1xf32>
      %sqrt3A_1122 = math.sqrt %add3A_1121 : vector<1024x1xf32>
      %div3A_1123 = vector.broadcast %sqrt3A_1122 : vector<1024x1xf32> to vector<1024x128xf32>
      %div3A_1124 = arith.divf %sub3A_1118, %div3A_1123 : vector<1024x128xf32>
      %mul3A_1125 = vector.broadcast %get3A_1084 : vector<1x128xf32> to vector<1024x128xf32>
      %mul3A_1126 = arith.mulf %div3A_1124, %mul3A_1125 : vector<1024x128xf32>
      %add3A_1127 = vector.broadcast %get3A_1087 : vector<1x128xf32> to vector<1024x128xf32>
      %add3A_1128 = arith.addf %mul3A_1126, %add3A_1127 : vector<1024x128xf32>
      %swap3A_1129 = arith.constant 0 : index
      %swap3A_1130 = arith.constant 0 : index
      %swap3A_1131 = vector.load %arg19[%swap3A_1129, %swap3A_1130] : memref<1024x128xf32, #tpu.memory_space<vmem>>, vector<1024x128xf32>
      tpu.vector_store %arg19[%swap3A_1129, %swap3A_1130], %add3A_1128 {strides = array<i32>} : memref<1024x128xf32, #tpu.memory_space<vmem>>, vector<1024x128xf32>,
    } else {
    }
    %get3A = arith.constant 0 : index
    %get3A_2 = arith.constant 0 : index
    %get3A_3 = vector.load %arg19[%get3A, %get3A_2] : memref<1024x128xf32, #tpu.memory_space<vmem>>, vector<1024x128xf32>
    %get3A_4 = arith.constant 0 : index
    %get3A_5 = arith.constant 0 : index
    %get3A_6 = arith.constant 0 : index
    %get3A_7 = vector.load %arg12[%get3A_4, %get3A_5, %get3A_6] : memref<1x1x128xf32, #tpu.memory_space<vmem>>, vector<1x1x128xf32>
    %get3A_8 = vector.shape_cast %get3A_7 : vector<1x1x128xf32> to vector<1x128xf32>
    %get3A_9 = arith.constant 0 : index
    %get3A_10 = arith.constant 0 : index
    %get3A_11 = arith.constant 0 : index
    %get3A_12 = vector.load %arg13[%get3A_9, %get3A_10, %get3A_11] : memref<1x1x128xf32, #tpu.memory_space<vmem>>, vector<1x1x128xf32>
    %get3A_13 = vector.shape_cast %get3A_12 : vector<1x1x128xf32> to vector<1x128xf32>
    %reduce_sum3A = arith.constant dense<0.000000e+00> : vector<1024xf32>
    %reduce_sum3A_14 = vector.multi_reduction <add>, %get3A_3, %reduce_sum3A [1] : vector<1024x128xf32> to vector<1024xf32>
    %broadcast_in_dim3A = vector.shape_cast %reduce_sum3A_14 : vector<1024xf32> to vector<1024x1xf32>
    %div3A = arith.constant 1.280000e+02 : f32
    %div3A_15 = vector.broadcast %div3A : f32 to vector<1024x1xf32>
    %div3A_16 = arith.divf %broadcast_in_dim3A, %div3A_15 : vector<1024x1xf32>
    %jit3A = arith.constant 0 : i32
    %reduce_sum3A_17 = arith.constant dense<0.000000e+00> : vector<1024xf32>
    %reduce_sum3A_18 = vector.multi_reduction <add>, %get3A_3, %reduce_sum3A_17 [1] : vector<1024x128xf32> to vector<1024xf32>
    %broadcast_in_dim3A_19 = vector.shape_cast %reduce_sum3A_18 : vector<1024xf32> to vector<1024x1xf32>
    %div3A_20 = arith.constant 1.280000e+02 : f32
    %div3A_21 = vector.broadcast %div3A_20 : f32 to vector<1024x1xf32>
    %div3A_22 = arith.divf %broadcast_in_dim3A_19, %div3A_21 : vector<1024x1xf32>
    %sub3A = vector.broadcast %div3A_22 : vector<1024x1xf32> to vector<1024x128xf32>
    %sub3A_23 = arith.subf %get3A_3, %sub3A : vector<1024x128xf32>
    %square3A = arith.mulf %sub3A_23, %sub3A_23 : vector<1024x128xf32>
    %convert_element_type3A_24 = arith.sitofp %jit3A : i32 to f32
    %sub3A_25 = arith.constant 1.280000e+02 : f32
    %sub3A_26 = arith.subf %sub3A_25, %convert_element_type3A_24 : f32
    %reduce_sum3A_27 = arith.constant dense<0.000000e+00> : vector<1024xf32>
    %reduce_sum3A_28 = vector.multi_reduction <add>, %square3A, %reduce_sum3A_27 [1] : vector<1024x128xf32> to vector<1024xf32>
    %broadcast_in_dim3A_29 = vector.shape_cast %reduce_sum3A_28 : vector<1024xf32> to vector<1024x1xf32>
    %div3A_30 = vector.broadcast %sub3A_26 : f32 to vector<1024x1xf32>
    %div3A_31 = arith.divf %broadcast_in_dim3A_29, %div3A_30 : vector<1024x1xf32>
    %gt3A = arith.constant 0.000000e+00 : f32
    %gt3A_32 = arith.cmpf ogt, %sub3A_26, %gt3A : f32
    %jit3A_33 = arith.constant 0x7FC00000 : f32
    %broadcast_in_dim3A_34 = vector.broadcast %jit3A_33 : f32 to vector<1024x1xf32>
    %select_n3A = arith.select %gt3A_32, %div3A_31, %broadcast_in_dim3A_34 : vector<1024x1xf32>
    %sub3A_35 = vector.broadcast %div3A_16 : vector<1024x1xf32> to vector<1024x128xf32>
    %sub3A_36 = arith.subf %get3A_3, %sub3A_35 : vector<1024x128xf32>
    %add3A = arith.constant 9.99999974E-6 : f32
    %add3A_37 = vector.broadcast %add3A : f32 to vector<1024x1xf32>
    %add3A_38 = arith.addf %select_n3A, %add3A_37 : vector<1024x1xf32>
    %sqrt3A = math.sqrt %add3A_38 : vector<1024x1xf32>
    %div3A_39 = vector.broadcast %sqrt3A : vector<1024x1xf32> to vector<1024x128xf32>
    %div3A_40 = arith.divf %sub3A_36, %div3A_39 : vector<1024x128xf32>
    %mul3A = vector.broadcast %get3A_8 : vector<1x128xf32> to vector<1024x128xf32>
    %mul3A_41 = arith.mulf %div3A_40, %mul3A : vector<1024x128xf32>
    %add3A_42 = vector.broadcast %get3A_13 : vector<1x128xf32> to vector<1024x128xf32>
    %add3A_43 = arith.addf %mul3A_41, %add3A_42 : vector<1024x128xf32>
    %get3A_44 = arith.constant 0 : index
    %get3A_45 = arith.constant 0 : index
    %get3A_46 = arith.constant 0 : index
    %get3A_47 = vector.load %arg5[%get3A_44, %get3A_45, %get3A_46] : memref<1x128x384xf32, #tpu.memory_space<vmem>>, vector<1x128x384xf32>
    %get3A_48 = vector.shape_cast %get3A_47 : vector<1x128x384xf32> to vector<128x384xf32>
    %dot_general3A = arith.constant dense<0.000000e+00> : vector<1024x384xf32>
    %dot_general3A_49 = tpu.matmul %add3A_43, %get3A_48, %dot_general3A {dimension_numbers = #tpu.dot_dimension_numbers<[1], [0], [0], [1], [0, 0, 1, 1], [], []>, transpose_lhs_hint = false} : vector<1024x128xf32>, vector<128x384xf32>, vector<1024x384xf32> -> vector<1024x384xf32>
    %get3A_50 = arith.constant 0 : index
    %get3A_51 = arith.constant 0 : index
    %get3A_52 = vector.load %arg3[%get3A_50, %get3A_51] : memref<512x128xf32, #tpu.memory_space<vmem>>, vector<512x128xf32>
    %get3A_53 = arith.constant 0 : index
    %get3A_54 = arith.constant 0 : index
    %get3A_55 = vector.load %arg4[%get3A_53, %get3A_54] : memref<512x128xf32, #tpu.memory_space<vmem>>, vector<512x128xf32>
    %slice3A = vector.extract_strided_slice %dot_general3A_49 {offsets = [0, 0], sizes = [128, 128], strides = [1, 1]} : vector<1024x384xf32> to vector<128x128xf32>
    %slice3A_56 = vector.extract_strided_slice %dot_general3A_49 {offsets = [0, 128], sizes = [128, 128], strides = [1, 1]} : vector<1024x384xf32> to vector<128x128xf32>
    %slice3A_57 = vector.extract_strided_slice %dot_general3A_49 {offsets = [0, 256], sizes = [128, 128], strides = [1, 1]} : vector<1024x384xf32> to vector<128x128xf32>
    %concatenate3A = tpu.concatenate %slice3A, %slice3A, %slice3A, %slice3A in 0 : vector<128x128xf32>, vector<128x128xf32>, vector<128x128xf32>, vector<128x128xf32> -> vector<512x128xf32>
    %mul3A_58 = arith.mulf %concatenate3A, %get3A_52 : vector<512x128xf32>
    %dot_general3A_59 = arith.constant dense<0.000000e+00> : vector<512x128xf32>
    %dot_general3A_60 = tpu.matmul %mul3A_58, %slice3A_56, %dot_general3A_59 {dimension_numbers = #tpu.dot_dimension_numbers<[1], [1], [0], [0], [0, 0, 1, 0], [], []>, transpose_lhs_hint = false} : vector<512x128xf32>, vector<128x128xf32>, vector<512x128xf32> -> vector<512x128xf32>
    %add3A_61 = arith.addf %dot_general3A_60, %get3A_55 : vector<512x128xf32>
    %reduce_max3A = arith.constant dense<0xFF800000> : vector<512xf32>
    %reduce_max3A_62 = vector.multi_reduction <maximumf>, %add3A_61, %reduce_max3A [1] : vector<512x128xf32> to vector<512xf32>
    %max3A = arith.constant 0xFF800000 : f32
    %max3A_63 = vector.broadcast %max3A : f32 to vector<512xf32>
    %max3A_64 = arith.maximumf %max3A_63, %reduce_max3A_62 : vector<512xf32>
    %broadcast_in_dim3A_65 = vector.shape_cast %max3A_64 : vector<512xf32> to vector<512x1xf32>
    %sub3A_66 = vector.broadcast %broadcast_in_dim3A_65 : vector<512x1xf32> to vector<512x128xf32>
    %sub3A_67 = arith.subf %add3A_61, %sub3A_66 : vector<512x128xf32>
    %exp3A = math.exp %sub3A_67 : vector<512x128xf32>
    %reduce_sum3A_68 = arith.constant dense<0.000000e+00> : vector<512xf32>
    %reduce_sum3A_69 = vector.multi_reduction <add>, %exp3A, %reduce_sum3A_68 [1] : vector<512x128xf32> to vector<512xf32>
    %broadcast_in_dim3A_70 = vector.shape_cast %reduce_sum3A_69 : vector<512xf32> to vector<512x1xf32>
    %div3A_71 = vector.broadcast %broadcast_in_dim3A_70 : vector<512x1xf32> to vector<512x128xf32>
    %div3A_72 = arith.divf %exp3A, %div3A_71 : vector<512x128xf32>
    %dot_general3A_73 = arith.constant dense<0.000000e+00> : vector<512x128xf32>
    %dot_general3A_74 = tpu.matmul %div3A_72, %slice3A_57, %dot_general3A_73 {dimension_numbers = #tpu.dot_dimension_numbers<[1], [0], [0], [1], [0, 0, 1, 1], [], []>, transpose_lhs_hint = false} : vector<512x128xf32>, vector<128x128xf32>, vector<512x128xf32> -> vector<512x128xf32>
    %slice3A_75 = vector.extract_strided_slice %dot_general3A_74 {offsets = [0, 0], sizes = [128, 32], strides = [1, 1]} : vector<512x128xf32> to vector<128x32xf32>
    %slice3A_76 = vector.extract_strided_slice %dot_general3A_74 {offsets = [128, 32], sizes = [128, 32], strides = [1, 1]} : vector<512x128xf32> to vector<128x32xf32>
    %slice3A_77 = vector.extract_strided_slice %dot_general3A_74 {offsets = [256, 64], sizes = [128, 32], strides = [1, 1]} : vector<512x128xf32> to vector<128x32xf32>
    %slice3A_78 = vector.extract_strided_slice %dot_general3A_74 {offsets = [384, 96], sizes = [128, 32], strides = [1, 1]} : vector<512x128xf32> to vector<128x32xf32>
    %concatenate3A_79 = tpu.concatenate %slice3A_75, %slice3A_76, %slice3A_77, %slice3A_78 in 1 : vector<128x32xf32>, vector<128x32xf32>, vector<128x32xf32>, vector<128x32xf32> -> vector<128x128xf32>
    %slice3A_80 = vector.extract_strided_slice %dot_general3A_49 {offsets = [128, 0], sizes = [128, 128], strides = [1, 1]} : vector<1024x384xf32> to vector<128x128xf32>
    %slice3A_81 = vector.extract_strided_slice %dot_general3A_49 {offsets = [128, 128], sizes = [128, 128], strides = [1, 1]} : vector<1024x384xf32> to vector<128x128xf32>
    %slice3A_82 = vector.extract_strided_slice %dot_general3A_49 {offsets = [128, 256], sizes = [128, 128], strides = [1, 1]} : vector<1024x384xf32> to vector<128x128xf32>
    %concatenate3A_83 = tpu.concatenate %slice3A_80, %slice3A_80, %slice3A_80, %slice3A_80 in 0 : vector<128x128xf32>, vector<128x128xf32>, vector<128x128xf32>, vector<128x128xf32> -> vector<512x128xf32>
    %mul3A_84 = arith.mulf %concatenate3A_83, %get3A_52 : vector<512x128xf32>
    %dot_general3A_85 = arith.constant dense<0.000000e+00> : vector<512x128xf32>
    %dot_general3A_86 = tpu.matmul %mul3A_84, %slice3A_81, %dot_general3A_85 {dimension_numbers = #tpu.dot_dimension_numbers<[1], [1], [0], [0], [0, 0, 1, 0], [], []>, transpose_lhs_hint = false} : vector<512x128xf32>, vector<128x128xf32>, vector<512x128xf32> -> vector<512x128xf32>
    %add3A_87 = arith.addf %dot_general3A_86, %get3A_55 : vector<512x128xf32>
    %reduce_max3A_88 = arith.constant dense<0xFF800000> : vector<512xf32>
    %reduce_max3A_89 = vector.multi_reduction <maximumf>, %add3A_87, %reduce_max3A_88 [1] : vector<512x128xf32> to vector<512xf32>
    %max3A_90 = arith.constant 0xFF800000 : f32
    %max3A_91 = vector.broadcast %max3A_90 : f32 to vector<512xf32>
    %max3A_92 = arith.maximumf %max3A_91, %reduce_max3A_89 : vector<512xf32>
    %broadcast_in_dim3A_93 = vector.shape_cast %max3A_92 : vector<512xf32> to vector<512x1xf32>
    %sub3A_94 = vector.broadcast %broadcast_in_dim3A_93 : vector<512x1xf32> to vector<512x128xf32>
    %sub3A_95 = arith.subf %add3A_87, %sub3A_94 : vector<512x128xf32>
    %exp3A_96 = math.exp %sub3A_95 : vector<512x128xf32>
    %reduce_sum3A_97 = arith.constant dense<0.000000e+00> : vector<512xf32>
    %reduce_sum3A_98 = vector.multi_reduction <add>, %exp3A_96, %reduce_sum3A_97 [1] : vector<512x128xf32> to vector<512xf32>
    %broadcast_in_dim3A_99 = vector.shape_cast %reduce_sum3A_98 : vector<512xf32> to vector<512x1xf32>
    %div3A_100 = vector.broadcast %broadcast_in_dim3A_99 : vector<512x1xf32> to vector<512x128xf32>
    %div3A_101 = arith.divf %exp3A_96, %div3A_100 : vector<512x128xf32>
    %dot_general3A_102 = arith.constant dense<0.000000e+00> : vector<512x128xf32>
    %dot_general3A_103 = tpu.matmul %div3A_101, %slice3A_82, %dot_general3A_102 {dimension_numbers = #tpu.dot_dimension_numbers<[1], [0], [0], [1], [0, 0, 1, 1], [], []>, transpose_lhs_hint = false} : vector<512x128xf32>, vector<128x128xf32>, vector<512x128xf32> -> vector<512x128xf32>
    %slice3A_104 = vector.extract_strided_slice %dot_general3A_103 {offsets = [0, 0], sizes = [128, 32], strides = [1, 1]} : vector<512x128xf32> to vector<128x32xf32>
    %slice3A_105 = vector.extract_strided_slice %dot_general3A_103 {offsets = [128, 32], sizes = [128, 32], strides = [1, 1]} : vector<512x128xf32> to vector<128x32xf32>
    %slice3A_106 = vector.extract_strided_slice %dot_general3A_103 {offsets = [256, 64], sizes = [128, 32], strides = [1, 1]} : vector<512x128xf32> to vector<128x32xf32>
    %slice3A_107 = vector.extract_strided_slice %dot_general3A_103 {offsets = [384, 96], sizes = [128, 32], strides = [1, 1]} : vector<512x128xf32> to vector<128x32xf32>
    %concatenate3A_108 = tpu.concatenate %slice3A_104, %slice3A_105, %slice3A_106, %slice3A_107 in 1 : vector<128x32xf32>, vector<128x32xf32>, vector<128x32xf32>, vector<128x32xf32> -> vector<128x128xf32>
    %slice3A_109 = vector.extract_strided_slice %dot_general3A_49 {offsets = [256, 0], sizes = [128, 128], strides = [1, 1]} : vector<1024x384xf32> to vector<128x128xf32>
    %slice3A_110 = vector.extract_strided_slice %dot_general3A_49 {offsets = [256, 128], sizes = [128, 128], strides = [1, 1]} : vector<1024x384xf32> to vector<128x128xf32>
    %slice3A_111 = vector.extract_strided_slice %dot_general3A_49 {offsets = [256, 256], sizes = [128, 128], strides = [1, 1]} : vector<1024x384xf32> to vector<128x128xf32>
    %concatenate3A_112 = tpu.concatenate %slice3A_109, %slice3A_109, %slice3A_109, %slice3A_109 in 0 : vector<128x128xf32>, vector<128x128xf32>, vector<128x128xf32>, vector<128x128xf32> -> vector<512x128xf32>
    %mul3A_113 = arith.mulf %concatenate3A_112, %get3A_52 : vector<512x128xf32>
    %dot_general3A_114 = arith.constant dense<0.000000e+00> : vector<512x128xf32>
    %dot_general3A_115 = tpu.matmul %mul3A_113, %slice3A_110, %dot_general3A_114 {dimension_numbers = #tpu.dot_dimension_numbers<[1], [1], [0], [0], [0, 0, 1, 0], [], []>, transpose_lhs_hint = false} : vector<512x128xf32>, vector<128x128xf32>, vector<512x128xf32> -> vector<512x128xf32>
    %add3A_116 = arith.addf %dot_general3A_115, %get3A_55 : vector<512x128xf32>
    %reduce_max3A_117 = arith.constant dense<0xFF800000> : vector<512xf32>
    %reduce_max3A_118 = vector.multi_reduction <maximumf>, %add3A_116, %reduce_max3A_117 [1] : vector<512x128xf32> to vector<512xf32>
    %max3A_119 = arith.constant 0xFF800000 : f32
    %max3A_120 = vector.broadcast %max3A_119 : f32 to vector<512xf32>
    %max3A_121 = arith.maximumf %max3A_120, %reduce_max3A_118 : vector<512xf32>
    %broadcast_in_dim3A_122 = vector.shape_cast %max3A_121 : vector<512xf32> to vector<512x1xf32>
    %sub3A_123 = vector.broadcast %broadcast_in_dim3A_122 : vector<512x1xf32> to vector<512x128xf32>
    %sub3A_124 = arith.subf %add3A_116, %sub3A_123 : vector<512x128xf32>
    %exp3A_125 = math.exp %sub3A_124 : vector<512x128xf32>
    %reduce_sum3A_126 = arith.constant dense<0.000000e+00> : vector<512xf32>
    %reduce_sum3A_127 = vector.multi_reduction <add>, %exp3A_125, %reduce_sum3A_126 [1] : vector<512x128xf32> to vector<512xf32>
    %broadcast_in_dim3A_128 = vector.shape_cast %reduce_sum3A_127 : vector<512xf32> to vector<512x1xf32>
    %div3A_129 = vector.broadcast %broadcast_in_dim3A_128 : vector<512x1xf32> to vector<512x128xf32>
    %div3A_130 = arith.divf %exp3A_125, %div3A_129 : vector<512x128xf32>
    %dot_general3A_131 = arith.constant dense<0.000000e+00> : vector<512x128xf32>
    %dot_general3A_132 = tpu.matmul %div3A_130, %slice3A_111, %dot_general3A_131 {dimension_numbers = #tpu.dot_dimension_numbers<[1], [0], [0], [1], [0, 0, 1, 1], [], []>, transpose_lhs_hint = false} : vector<512x128xf32>, vector<128x128xf32>, vector<512x128xf32> -> vector<512x128xf32>
    %slice3A_133 = vector.extract_strided_slice %dot_general3A_132 {offsets = [0, 0], sizes = [128, 32], strides = [1, 1]} : vector<512x128xf32> to vector<128x32xf32>
    %slice3A_134 = vector.extract_strided_slice %dot_general3A_132 {offsets = [128, 32], sizes = [128, 32], strides = [1, 1]} : vector<512x128xf32> to vector<128x32xf32>
    %slice3A_135 = vector.extract_strided_slice %dot_general3A_132 {offsets = [256, 64], sizes = [128, 32], strides = [1, 1]} : vector<512x128xf32> to vector<128x32xf32>
    %slice3A_136 = vector.extract_strided_slice %dot_general3A_132 {offsets = [384, 96], sizes = [128, 32], strides = [1, 1]} : vector<512x128xf32> to vector<128x32xf32>
    %concatenate3A_137 = tpu.concatenate %slice3A_133, %slice3A_134, %slice3A_135, %slice3A_136 in 1 : vector<128x32xf32>, vector<128x32xf32>, vector<128x32xf32>, vector<128x32xf32> -> vector<128x128xf32>
    %slice3A_138 = vector.extract_strided_slice %dot_general3A_49 {offsets = [384, 0], sizes = [128, 128], strides = [1, 1]} : vector<1024x384xf32> to vector<128x128xf32>
    %slice3A_139 = vector.extract_strided_slice %dot_general3A_49 {offsets = [384, 128], sizes = [128, 128], strides = [1, 1]} : vector<1024x384xf32> to vector<128x128xf32>
    %slice3A_140 = vector.extract_strided_slice %dot_general3A_49 {offsets = [384, 256], sizes = [128, 128], strides = [1, 1]} : vector<1024x384xf32> to vector<128x128xf32>
    %concatenate3A_141 = tpu.concatenate %slice3A_138, %slice3A_138, %slice3A_138, %slice3A_138 in 0 : vector<128x128xf32>, vector<128x128xf32>, vector<128x128xf32>, vector<128x128xf32> -> vector<512x128xf32>
    %mul3A_142 = arith.mulf %concatenate3A_141, %get3A_52 : vector<512x128xf32>
    %dot_general3A_143 = arith.constant dense<0.000000e+00> : vector<512x128xf32>
    %dot_general3A_144 = tpu.matmul %mul3A_142, %slice3A_139, %dot_general3A_143 {dimension_numbers = #tpu.dot_dimension_numbers<[1], [1], [0], [0], [0, 0, 1, 0], [], []>, transpose_lhs_hint = false} : vector<512x128xf32>, vector<128x128xf32>, vector<512x128xf32> -> vector<512x128xf32>
    %add3A_145 = arith.addf %dot_general3A_144, %get3A_55 : vector<512x128xf32>
    %reduce_max3A_146 = arith.constant dense<0xFF800000> : vector<512xf32>
    %reduce_max3A_147 = vector.multi_reduction <maximumf>, %add3A_145, %reduce_max3A_146 [1] : vector<512x128xf32> to vector<512xf32>
    %max3A_148 = arith.constant 0xFF800000 : f32
    %max3A_149 = vector.broadcast %max3A_148 : f32 to vector<512xf32>
    %max3A_150 = arith.maximumf %max3A_149, %reduce_max3A_147 : vector<512xf32>
    %broadcast_in_dim3A_151 = vector.shape_cast %max3A_150 : vector<512xf32> to vector<512x1xf32>
    %sub3A_152 = vector.broadcast %broadcast_in_dim3A_151 : vector<512x1xf32> to vector<512x128xf32>
    %sub3A_153 = arith.subf %add3A_145, %sub3A_152 : vector<512x128xf32>
    %exp3A_154 = math.exp %sub3A_153 : vector<512x128xf32>
    %reduce_sum3A_155 = arith.constant dense<0.000000e+00> : vector<512xf32>
    %reduce_sum3A_156 = vector.multi_reduction <add>, %exp3A_154, %reduce_sum3A_155 [1] : vector<512x128xf32> to vector<512xf32>
    %broadcast_in_dim3A_157 = vector.shape_cast %reduce_sum3A_156 : vector<512xf32> to vector<512x1xf32>
    %div3A_158 = vector.broadcast %broadcast_in_dim3A_157 : vector<512x1xf32> to vector<512x128xf32>
    %div3A_159 = arith.divf %exp3A_154, %div3A_158 : vector<512x128xf32>
    %dot_general3A_160 = arith.constant dense<0.000000e+00> : vector<512x128xf32>
    %dot_general3A_161 = tpu.matmul %div3A_159, %slice3A_140, %dot_general3A_160 {dimension_numbers = #tpu.dot_dimension_numbers<[1], [0], [0], [1], [0, 0, 1, 1], [], []>, transpose_lhs_hint = false} : vector<512x128xf32>, vector<128x128xf32>, vector<512x128xf32> -> vector<512x128xf32>
    %slice3A_162 = vector.extract_strided_slice %dot_general3A_161 {offsets = [0, 0], sizes = [128, 32], strides = [1, 1]} : vector<512x128xf32> to vector<128x32xf32>
    %slice3A_163 = vector.extract_strided_slice %dot_general3A_161 {offsets = [128, 32], sizes = [128, 32], strides = [1, 1]} : vector<512x128xf32> to vector<128x32xf32>
    %slice3A_164 = vector.extract_strided_slice %dot_general3A_161 {offsets = [256, 64], sizes = [128, 32], strides = [1, 1]} : vector<512x128xf32> to vector<128x32xf32>
    %slice3A_165 = vector.extract_strided_slice %dot_general3A_161 {offsets = [384, 96], sizes = [128, 32], strides = [1, 1]} : vector<512x128xf32> to vector<128x32xf32>
    %concatenate3A_166 = tpu.concatenate %slice3A_162, %slice3A_163, %slice3A_164, %slice3A_165 in 1 : vector<128x32xf32>, vector<128x32xf32>, vector<128x32xf32>, vector<128x32xf32> -> vector<128x128xf32>
    %slice3A_167 = vector.extract_strided_slice %dot_general3A_49 {offsets = [512, 0], sizes = [128, 128], strides = [1, 1]} : vector<1024x384xf32> to vector<128x128xf32>
    %slice3A_168 = vector.extract_strided_slice %dot_general3A_49 {offsets = [512, 128], sizes = [128, 128], strides = [1, 1]} : vector<1024x384xf32> to vector<128x128xf32>
    %slice3A_169 = vector.extract_strided_slice %dot_general3A_49 {offsets = [512, 256], sizes = [128, 128], strides = [1, 1]} : vector<1024x384xf32> to vector<128x128xf32>
    %concatenate3A_170 = tpu.concatenate %slice3A_167, %slice3A_167, %slice3A_167, %slice3A_167 in 0 : vector<128x128xf32>, vector<128x128xf32>, vector<128x128xf32>, vector<128x128xf32> -> vector<512x128xf32>
    %mul3A_171 = arith.mulf %concatenate3A_170, %get3A_52 : vector<512x128xf32>
    %dot_general3A_172 = arith.constant dense<0.000000e+00> : vector<512x128xf32>
    %dot_general3A_173 = tpu.matmul %mul3A_171, %slice3A_168, %dot_general3A_172 {dimension_numbers = #tpu.dot_dimension_numbers<[1], [1], [0], [0], [0, 0, 1, 0], [], []>, transpose_lhs_hint = false} : vector<512x128xf32>, vector<128x128xf32>, vector<512x128xf32> -> vector<512x128xf32>
    %add3A_174 = arith.addf %dot_general3A_173, %get3A_55 : vector<512x128xf32>
    %reduce_max3A_175 = arith.constant dense<0xFF800000> : vector<512xf32>
    %reduce_max3A_176 = vector.multi_reduction <maximumf>, %add3A_174, %reduce_max3A_175 [1] : vector<512x128xf32> to vector<512xf32>
    %max3A_177 = arith.constant 0xFF800000 : f32
    %max3A_178 = vector.broadcast %max3A_177 : f32 to vector<512xf32>
    %max3A_179 = arith.maximumf %max3A_178, %reduce_max3A_176 : vector<512xf32>
    %broadcast_in_dim3A_180 = vector.shape_cast %max3A_179 : vector<512xf32> to vector<512x1xf32>
    %sub3A_181 = vector.broadcast %broadcast_in_dim3A_180 : vector<512x1xf32> to vector<512x128xf32>
    %sub3A_182 = arith.subf %add3A_174, %sub3A_181 : vector<512x128xf32>
    %exp3A_183 = math.exp %sub3A_182 : vector<512x128xf32>
    %reduce_sum3A_184 = arith.constant dense<0.000000e+00> : vector<512xf32>
    %reduce_sum3A_185 = vector.multi_reduction <add>, %exp3A_183, %reduce_sum3A_184 [1] : vector<512x128xf32> to vector<512xf32>
    %broadcast_in_dim3A_186 = vector.shape_cast %reduce_sum3A_185 : vector<512xf32> to vector<512x1xf32>
    %div3A_187 = vector.broadcast %broadcast_in_dim3A_186 : vector<512x1xf32> to vector<512x128xf32>
    %div3A_188 = arith.divf %exp3A_183, %div3A_187 : vector<512x128xf32>
    %dot_general3A_189 = arith.constant dense<0.000000e+00> : vector<512x128xf32>
    %dot_general3A_190 = tpu.matmul %div3A_188, %slice3A_169, %dot_general3A_189 {dimension_numbers = #tpu.dot_dimension_numbers<[1], [0], [0], [1], [0, 0, 1, 1], [], []>, transpose_lhs_hint = false} : vector<512x128xf32>, vector<128x128xf32>, vector<512x128xf32> -> vector<512x128xf32>
    %slice3A_191 = vector.extract_strided_slice %dot_general3A_190 {offsets = [0, 0], sizes = [128, 32], strides = [1, 1]} : vector<512x128xf32> to vector<128x32xf32>
    %slice3A_192 = vector.extract_strided_slice %dot_general3A_190 {offsets = [128, 32], sizes = [128, 32], strides = [1, 1]} : vector<512x128xf32> to vector<128x32xf32>
    %slice3A_193 = vector.extract_strided_slice %dot_general3A_190 {offsets = [256, 64], sizes = [128, 32], strides = [1, 1]} : vector<512x128xf32> to vector<128x32xf32>
    %slice3A_194 = vector.extract_strided_slice %dot_general3A_190 {offsets = [384, 96], sizes = [128, 32], strides = [1, 1]} : vector<512x128xf32> to vector<128x32xf32>
    %concatenate3A_195 = tpu.concatenate %slice3A_191, %slice3A_192, %slice3A_193, %slice3A_194 in 1 : vector<128x32xf32>, vector<128x32xf32>, vector<128x32xf32>, vector<128x32xf32> -> vector<128x128xf32>
    %slice3A_196 = vector.extract_strided_slice %dot_general3A_49 {offsets = [640, 0], sizes = [128, 128], strides = [1, 1]} : vector<1024x384xf32> to vector<128x128xf32>
    %slice3A_197 = vector.extract_strided_slice %dot_general3A_49 {offsets = [640, 128], sizes = [128, 128], strides = [1, 1]} : vector<1024x384xf32> to vector<128x128xf32>
    %slice3A_198 = vector.extract_strided_slice %dot_general3A_49 {offsets = [640, 256], sizes = [128, 128], strides = [1, 1]} : vector<1024x384xf32> to vector<128x128xf32>
    %concatenate3A_199 = tpu.concatenate %slice3A_196, %slice3A_196, %slice3A_196, %slice3A_196 in 0 : vector<128x128xf32>, vector<128x128xf32>, vector<128x128xf32>, vector<128x128xf32> -> vector<512x128xf32>
    %mul3A_200 = arith.mulf %concatenate3A_199, %get3A_52 : vector<512x128xf32>
    %dot_general3A_201 = arith.constant dense<0.000000e+00> : vector<512x128xf32>
    %dot_general3A_202 = tpu.matmul %mul3A_200, %slice3A_197, %dot_general3A_201 {dimension_numbers = #tpu.dot_dimension_numbers<[1], [1], [0], [0], [0, 0, 1, 0], [], []>, transpose_lhs_hint = false} : vector<512x128xf32>, vector<128x128xf32>, vector<512x128xf32> -> vector<512x128xf32>
    %add3A_203 = arith.addf %dot_general3A_202, %get3A_55 : vector<512x128xf32>
    %reduce_max3A_204 = arith.constant dense<0xFF800000> : vector<512xf32>
    %reduce_max3A_205 = vector.multi_reduction <maximumf>, %add3A_203, %reduce_max3A_204 [1] : vector<512x128xf32> to vector<512xf32>
    %max3A_206 = arith.constant 0xFF800000 : f32
    %max3A_207 = vector.broadcast %max3A_206 : f32 to vector<512xf32>
    %max3A_208 = arith.maximumf %max3A_207, %reduce_max3A_205 : vector<512xf32>
    %broadcast_in_dim3A_209 = vector.shape_cast %max3A_208 : vector<512xf32> to vector<512x1xf32>
    %sub3A_210 = vector.broadcast %broadcast_in_dim3A_209 : vector<512x1xf32> to vector<512x128xf32>
    %sub3A_211 = arith.subf %add3A_203, %sub3A_210 : vector<512x128xf32>
    %exp3A_212 = math.exp %sub3A_211 : vector<512x128xf32>
    %reduce_sum3A_213 = arith.constant dense<0.000000e+00> : vector<512xf32>
    %reduce_sum3A_214 = vector.multi_reduction <add>, %exp3A_212, %reduce_sum3A_213 [1] : vector<512x128xf32> to vector<512xf32>
    %broadcast_in_dim3A_215 = vector.shape_cast %reduce_sum3A_214 : vector<512xf32> to vector<512x1xf32>
    %div3A_216 = vector.broadcast %broadcast_in_dim3A_215 : vector<512x1xf32> to vector<512x128xf32>
    %div3A_217 = arith.divf %exp3A_212, %div3A_216 : vector<512x128xf32>
    %dot_general3A_218 = arith.constant dense<0.000000e+00> : vector<512x128xf32>
    %dot_general3A_219 = tpu.matmul %div3A_217, %slice3A_198, %dot_general3A_218 {dimension_numbers = #tpu.dot_dimension_numbers<[1], [0], [0], [1], [0, 0, 1, 1], [], []>, transpose_lhs_hint = false} : vector<512x128xf32>, vector<128x128xf32>, vector<512x128xf32> -> vector<512x128xf32>
    %slice3A_220 = vector.extract_strided_slice %dot_general3A_219 {offsets = [0, 0], sizes = [128, 32], strides = [1, 1]} : vector<512x128xf32> to vector<128x32xf32>
    %slice3A_221 = vector.extract_strided_slice %dot_general3A_219 {offsets = [128, 32], sizes = [128, 32], strides = [1, 1]} : vector<512x128xf32> to vector<128x32xf32>
    %slice3A_222 = vector.extract_strided_slice %dot_general3A_219 {offsets = [256, 64], sizes = [128, 32], strides = [1, 1]} : vector<512x128xf32> to vector<128x32xf32>
    %slice3A_223 = vector.extract_strided_slice %dot_general3A_219 {offsets = [384, 96], sizes = [128, 32], strides = [1, 1]} : vector<512x128xf32> to vector<128x32xf32>
    %concatenate3A_224 = tpu.concatenate %slice3A_220, %slice3A_221, %slice3A_222, %slice3A_223 in 1 : vector<128x32xf32>, vector<128x32xf32>, vector<128x32xf32>, vector<128x32xf32> -> vector<128x128xf32>
    %slice3A_225 = vector.extract_strided_slice %dot_general3A_49 {offsets = [768, 0], sizes = [128, 128], strides = [1, 1]} : vector<1024x384xf32> to vector<128x128xf32>
    %slice3A_226 = vector.extract_strided_slice %dot_general3A_49 {offsets = [768, 128], sizes = [128, 128], strides = [1, 1]} : vector<1024x384xf32> to vector<128x128xf32>
    %slice3A_227 = vector.extract_strided_slice %dot_general3A_49 {offsets = [768, 256], sizes = [128, 128], strides = [1, 1]} : vector<1024x384xf32> to vector<128x128xf32>
    %concatenate3A_228 = tpu.concatenate %slice3A_225, %slice3A_225, %slice3A_225, %slice3A_225 in 0 : vector<128x128xf32>, vector<128x128xf32>, vector<128x128xf32>, vector<128x128xf32> -> vector<512x128xf32>
    %mul3A_229 = arith.mulf %concatenate3A_228, %get3A_52 : vector<512x128xf32>
    %dot_general3A_230 = arith.constant dense<0.000000e+00> : vector<512x128xf32>
    %dot_general3A_231 = tpu.matmul %mul3A_229, %slice3A_226, %dot_general3A_230 {dimension_numbers = #tpu.dot_dimension_numbers<[1], [1], [0], [0], [0, 0, 1, 0], [], []>, transpose_lhs_hint = false} : vector<512x128xf32>, vector<128x128xf32>, vector<512x128xf32> -> vector<512x128xf32>
    %add3A_232 = arith.addf %dot_general3A_231, %get3A_55 : vector<512x128xf32>
    %reduce_max3A_233 = arith.constant dense<0xFF800000> : vector<512xf32>
    %reduce_max3A_234 = vector.multi_reduction <maximumf>, %add3A_232, %reduce_max3A_233 [1] : vector<512x128xf32> to vector<512xf32>
    %max3A_235 = arith.constant 0xFF800000 : f32
    %max3A_236 = vector.broadcast %max3A_235 : f32 to vector<512xf32>
    %max3A_237 = arith.maximumf %max3A_236, %reduce_max3A_234 : vector<512xf32>
    %broadcast_in_dim3A_238 = vector.shape_cast %max3A_237 : vector<512xf32> to vector<512x1xf32>
    %sub3A_239 = vector.broadcast %broadcast_in_dim3A_238 : vector<512x1xf32> to vector<512x128xf32>
    %sub3A_240 = arith.subf %add3A_232, %sub3A_239 : vector<512x128xf32>
    %exp3A_241 = math.exp %sub3A_240 : vector<512x128xf32>
    %reduce_sum3A_242 = arith.constant dense<0.000000e+00> : vector<512xf32>
    %reduce_sum3A_243 = vector.multi_reduction <add>, %exp3A_241, %reduce_sum3A_242 [1] : vector<512x128xf32> to vector<512xf32>
    %broadcast_in_dim3A_244 = vector.shape_cast %reduce_sum3A_243 : vector<512xf32> to vector<512x1xf32>
    %div3A_245 = vector.broadcast %broadcast_in_dim3A_244 : vector<512x1xf32> to vector<512x128xf32>
    %div3A_246 = arith.divf %exp3A_241, %div3A_245 : vector<512x128xf32>
    %dot_general3A_247 = arith.constant dense<0.000000e+00> : vector<512x128xf32>
    %dot_general3A_248 = tpu.matmul %div3A_246, %slice3A_227, %dot_general3A_247 {dimension_numbers = #tpu.dot_dimension_numbers<[1], [0], [0], [1], [0, 0, 1, 1], [], []>, transpose_lhs_hint = false} : vector<512x128xf32>, vector<128x128xf32>, vector<512x128xf32> -> vector<512x128xf32>
    %slice3A_249 = vector.extract_strided_slice %dot_general3A_248 {offsets = [0, 0], sizes = [128, 32], strides = [1, 1]} : vector<512x128xf32> to vector<128x32xf32>
    %slice3A_250 = vector.extract_strided_slice %dot_general3A_248 {offsets = [128, 32], sizes = [128, 32], strides = [1, 1]} : vector<512x128xf32> to vector<128x32xf32>
    %slice3A_251 = vector.extract_strided_slice %dot_general3A_248 {offsets = [256, 64], sizes = [128, 32], strides = [1, 1]} : vector<512x128xf32> to vector<128x32xf32>
    %slice3A_252 = vector.extract_strided_slice %dot_general3A_248 {offsets = [384, 96], sizes = [128, 32], strides = [1, 1]} : vector<512x128xf32> to vector<128x32xf32>
    %concatenate3A_253 = tpu.concatenate %slice3A_249, %slice3A_250, %slice3A_251, %slice3A_252 in 1 : vector<128x32xf32>, vector<128x32xf32>, vector<128x32xf32>, vector<128x32xf32> -> vector<128x128xf32>
    %slice3A_254 = vector.extract_strided_slice %dot_general3A_49 {offsets = [896, 0], sizes = [128, 128], strides = [1, 1]} : vector<1024x384xf32> to vector<128x128xf32>
    %slice3A_255 = vector.extract_strided_slice %dot_general3A_49 {offsets = [896, 128], sizes = [128, 128], strides = [1, 1]} : vector<1024x384xf32> to vector<128x128xf32>
    %slice3A_256 = vector.extract_strided_slice %dot_general3A_49 {offsets = [896, 256], sizes = [128, 128], strides = [1, 1]} : vector<1024x384xf32> to vector<128x128xf32>
    %concatenate3A_257 = tpu.concatenate %slice3A_254, %slice3A_254, %slice3A_254, %slice3A_254 in 0 : vector<128x128xf32>, vector<128x128xf32>, vector<128x128xf32>, vector<128x128xf32> -> vector<512x128xf32>
    %mul3A_258 = arith.mulf %concatenate3A_257, %get3A_52 : vector<512x128xf32>
    %dot_general3A_259 = arith.constant dense<0.000000e+00> : vector<512x128xf32>
    %dot_general3A_260 = tpu.matmul %mul3A_258, %slice3A_255, %dot_general3A_259 {dimension_numbers = #tpu.dot_dimension_numbers<[1], [1], [0], [0], [0, 0, 1, 0], [], []>, transpose_lhs_hint = false} : vector<512x128xf32>, vector<128x128xf32>, vector<512x128xf32> -> vector<512x128xf32>
    %add3A_261 = arith.addf %dot_general3A_260, %get3A_55 : vector<512x128xf32>
    %reduce_max3A_262 = arith.constant dense<0xFF800000> : vector<512xf32>
    %reduce_max3A_263 = vector.multi_reduction <maximumf>, %add3A_261, %reduce_max3A_262 [1] : vector<512x128xf32> to vector<512xf32>
    %max3A_264 = arith.constant 0xFF800000 : f32
    %max3A_265 = vector.broadcast %max3A_264 : f32 to vector<512xf32>
    %max3A_266 = arith.maximumf %max3A_265, %reduce_max3A_263 : vector<512xf32>
    %broadcast_in_dim3A_267 = vector.shape_cast %max3A_266 : vector<512xf32> to vector<512x1xf32>
    %sub3A_268 = vector.broadcast %broadcast_in_dim3A_267 : vector<512x1xf32> to vector<512x128xf32>
    %sub3A_269 = arith.subf %add3A_261, %sub3A_268 : vector<512x128xf32>
    %exp3A_270 = math.exp %sub3A_269 : vector<512x128xf32>
    %reduce_sum3A_271 = arith.constant dense<0.000000e+00> : vector<512xf32>
    %reduce_sum3A_272 = vector.multi_reduction <add>, %exp3A_270, %reduce_sum3A_271 [1] : vector<512x128xf32> to vector<512xf32>
    %broadcast_in_dim3A_273 = vector.shape_cast %reduce_sum3A_272 : vector<512xf32> to vector<512x1xf32>
    %div3A_274 = vector.broadcast %broadcast_in_dim3A_273 : vector<512x1xf32> to vector<512x128xf32>
    %div3A_275 = arith.divf %exp3A_270, %div3A_274 : vector<512x128xf32>
    %dot_general3A_276 = arith.constant dense<0.000000e+00> : vector<512x128xf32>
    %dot_general3A_277 = tpu.matmul %div3A_275, %slice3A_256, %dot_general3A_276 {dimension_numbers = #tpu.dot_dimension_numbers<[1], [0], [0], [1], [0, 0, 1, 1], [], []>, transpose_lhs_hint = false} : vector<512x128xf32>, vector<128x128xf32>, vector<512x128xf32> -> vector<512x128xf32>
    %slice3A_278 = vector.extract_strided_slice %dot_general3A_277 {offsets = [0, 0], sizes = [128, 32], strides = [1, 1]} : vector<512x128xf32> to vector<128x32xf32>
    %slice3A_279 = vector.extract_strided_slice %dot_general3A_277 {offsets = [128, 32], sizes = [128, 32], strides = [1, 1]} : vector<512x128xf32> to vector<128x32xf32>
    %slice3A_280 = vector.extract_strided_slice %dot_general3A_277 {offsets = [256, 64], sizes = [128, 32], strides = [1, 1]} : vector<512x128xf32> to vector<128x32xf32>
    %slice3A_281 = vector.extract_strided_slice %dot_general3A_277 {offsets = [384, 96], sizes = [128, 32], strides = [1, 1]} : vector<512x128xf32> to vector<128x32xf32>
    %concatenate3A_282 = tpu.concatenate %slice3A_278, %slice3A_279, %slice3A_280, %slice3A_281 in 1 : vector<128x32xf32>, vector<128x32xf32>, vector<128x32xf32>, vector<128x32xf32> -> vector<128x128xf32>
    %concatenate3A_283 = tpu.concatenate %concatenate3A_79, %concatenate3A_108, %concatenate3A_137, %concatenate3A_166, %concatenate3A_195, %concatenate3A_224, %concatenate3A_253, %concatenate3A_282 in 0 : vector<128x128xf32>, vector<128x128xf32>, vector<128x128xf32>, vector<128x128xf32>, vector<128x128xf32>, vector<128x128xf32>, vector<128x128xf32>, vector<128x128xf32> -> vector<1024x128xf32>
    %get3A_284 = arith.constant 0 : index
    %get3A_285 = arith.constant 0 : index
    %get3A_286 = arith.constant 0 : index
    %get3A_287 = vector.load %arg6[%get3A_284, %get3A_285, %get3A_286] : memref<1x128x128xf32, #tpu.memory_space<vmem>>, vector<1x128x128xf32>
    %get3A_288 = vector.shape_cast %get3A_287 : vector<1x128x128xf32> to vector<128x128xf32>
    %dot_general3A_289 = arith.constant dense<0.000000e+00> : vector<1024x128xf32>
    %dot_general3A_290 = tpu.matmul %concatenate3A_283, %get3A_288, %dot_general3A_289 {dimension_numbers = #tpu.dot_dimension_numbers<[1], [0], [0], [1], [0, 0, 1, 1], [], []>, transpose_lhs_hint = false} : vector<1024x128xf32>, vector<128x128xf32>, vector<1024x128xf32> -> vector<1024x128xf32>
    %add3A_291 = arith.addf %get3A_3, %dot_general3A_290 : vector<1024x128xf32>
    %swap3A = arith.constant 0 : index
    %swap3A_292 = arith.constant 0 : index
    %swap3A_293 = vector.load %arg19[%swap3A, %swap3A_292] : memref<1024x128xf32, #tpu.memory_space<vmem>>, vector<1024x128xf32>
    tpu.vector_store %arg19[%swap3A, %swap3A_292], %add3A_291 {strides = array<i32>} : memref<1024x128xf32, #tpu.memory_space<vmem>>, vector<1024x128xf32>,
    %get3A_294 = arith.constant 0 : index
    %get3A_295 = arith.constant 0 : index
    %get3A_296 = arith.constant 0 : index
    %get3A_297 = vector.load %arg14[%get3A_294, %get3A_295, %get3A_296] : memref<1x1x128xf32, #tpu.memory_space<vmem>>, vector<1x1x128xf32>
    %get3A_298 = vector.shape_cast %get3A_297 : vector<1x1x128xf32> to vector<1x128xf32>
    %get3A_299 = arith.constant 0 : index
    %get3A_300 = arith.constant 0 : index
    %get3A_301 = arith.constant 0 : index
    %get3A_302 = vector.load %arg15[%get3A_299, %get3A_300, %get3A_301] : memref<1x1x128xf32, #tpu.memory_space<vmem>>, vector<1x1x128xf32>
    %get3A_303 = vector.shape_cast %get3A_302 : vector<1x1x128xf32> to vector<1x128xf32>
    %reduce_sum3A_304 = arith.constant dense<0.000000e+00> : vector<1024xf32>
    %reduce_sum3A_305 = vector.multi_reduction <add>, %add3A_291, %reduce_sum3A_304 [1] : vector<1024x128xf32> to vector<1024xf32>
    %broadcast_in_dim3A_306 = vector.shape_cast %reduce_sum3A_305 : vector<1024xf32> to vector<1024x1xf32>
    %div3A_307 = arith.constant 1.280000e+02 : f32
    %div3A_308 = vector.broadcast %div3A_307 : f32 to vector<1024x1xf32>
    %div3A_309 = arith.divf %broadcast_in_dim3A_306, %div3A_308 : vector<1024x1xf32>
    %jit3A_310 = arith.constant 0 : i32
    %reduce_sum3A_311 = arith.constant dense<0.000000e+00> : vector<1024xf32>
    %reduce_sum3A_312 = vector.multi_reduction <add>, %add3A_291, %reduce_sum3A_311 [1] : vector<1024x128xf32> to vector<1024xf32>
    %broadcast_in_dim3A_313 = vector.shape_cast %reduce_sum3A_312 : vector<1024xf32> to vector<1024x1xf32>
    %div3A_314 = arith.constant 1.280000e+02 : f32
    %div3A_315 = vector.broadcast %div3A_314 : f32 to vector<1024x1xf32>
    %div3A_316 = arith.divf %broadcast_in_dim3A_313, %div3A_315 : vector<1024x1xf32>
    %sub3A_317 = vector.broadcast %div3A_316 : vector<1024x1xf32> to vector<1024x128xf32>
    %sub3A_318 = arith.subf %add3A_291, %sub3A_317 : vector<1024x128xf32>
    %square3A_319 = arith.mulf %sub3A_318, %sub3A_318 : vector<1024x128xf32>
    %convert_element_type3A_320 = arith.sitofp %jit3A_310 : i32 to f32
    %sub3A_321 = arith.constant 1.280000e+02 : f32
    %sub3A_322 = arith.subf %sub3A_321, %convert_element_type3A_320 : f32
    %reduce_sum3A_323 = arith.constant dense<0.000000e+00> : vector<1024xf32>
    %reduce_sum3A_324 = vector.multi_reduction <add>, %square3A_319, %reduce_sum3A_323 [1] : vector<1024x128xf32> to vector<1024xf32>
    %broadcast_in_dim3A_325 = vector.shape_cast %reduce_sum3A_324 : vector<1024xf32> to vector<1024x1xf32>
    %div3A_326 = vector.broadcast %sub3A_322 : f32 to vector<1024x1xf32>
    %div3A_327 = arith.divf %broadcast_in_dim3A_325, %div3A_326 : vector<1024x1xf32>
    %gt3A_328 = arith.constant 0.000000e+00 : f32
    %gt3A_329 = arith.cmpf ogt, %sub3A_322, %gt3A_328 : f32
    %jit3A_330 = arith.constant 0x7FC00000 : f32
    %broadcast_in_dim3A_331 = vector.broadcast %jit3A_330 : f32 to vector<1024x1xf32>
    %select_n3A_332 = arith.select %gt3A_329, %div3A_327, %broadcast_in_dim3A_331 : vector<1024x1xf32>
    %sub3A_333 = vector.broadcast %div3A_309 : vector<1024x1xf32> to vector<1024x128xf32>
    %sub3A_334 = arith.subf %add3A_291, %sub3A_333 : vector<1024x128xf32>
    %add3A_335 = arith.constant 9.99999974E-6 : f32
    %add3A_336 = vector.broadcast %add3A_335 : f32 to vector<1024x1xf32>
    %add3A_337 = arith.addf %select_n3A_332, %add3A_336 : vector<1024x1xf32>
    %sqrt3A_338 = math.sqrt %add3A_337 : vector<1024x1xf32>
    %div3A_339 = vector.broadcast %sqrt3A_338 : vector<1024x1xf32> to vector<1024x128xf32>
    %div3A_340 = arith.divf %sub3A_334, %div3A_339 : vector<1024x128xf32>
    %mul3A_341 = vector.broadcast %get3A_298 : vector<1x128xf32> to vector<1024x128xf32>
    %mul3A_342 = arith.mulf %div3A_340, %mul3A_341 : vector<1024x128xf32>
    %add3A_343 = vector.broadcast %get3A_303 : vector<1x128xf32> to vector<1024x128xf32>
    %add3A_344 = arith.addf %mul3A_342, %add3A_343 : vector<1024x128xf32>
    %get3A_345 = arith.constant 0 : index
    %get3A_346 = arith.constant 0 : index
    %get3A_347 = arith.constant 0 : index
    %get3A_348 = vector.load %arg7[%get3A_345, %get3A_346, %get3A_347] : memref<1x128x16xf32, #tpu.memory_space<vmem>>, vector<1x128x16xf32>
    %get3A_349 = vector.shape_cast %get3A_348 : vector<1x128x16xf32> to vector<128x16xf32>
    %dot_general3A_350 = arith.constant dense<0.000000e+00> : vector<1024x16xf32>
    %dot_general3A_351 = tpu.matmul %add3A_344, %get3A_349, %dot_general3A_350 {dimension_numbers = #tpu.dot_dimension_numbers<[1], [0], [0], [1], [0, 0, 1, 1], [], []>, transpose_lhs_hint = false} : vector<1024x128xf32>, vector<128x16xf32>, vector<1024x16xf32> -> vector<1024x16xf32>
    %reduce_max3A_352 = arith.constant dense<0xFF800000> : vector<1024xf32>
    %reduce_max3A_353 = vector.multi_reduction <maximumf>, %dot_general3A_351, %reduce_max3A_352 [1] : vector<1024x16xf32> to vector<1024xf32>
    %max3A_354 = arith.constant 0xFF800000 : f32
    %max3A_355 = vector.broadcast %max3A_354 : f32 to vector<1024xf32>
    %max3A_356 = arith.maximumf %max3A_355, %reduce_max3A_353 : vector<1024xf32>
    %broadcast_in_dim3A_357 = vector.shape_cast %max3A_356 : vector<1024xf32> to vector<1024x1xf32>
    %sub3A_358 = vector.broadcast %broadcast_in_dim3A_357 : vector<1024x1xf32> to vector<1024x16xf32>
    %sub3A_359 = arith.subf %dot_general3A_351, %sub3A_358 : vector<1024x16xf32>
    %exp3A_360 = math.exp %sub3A_359 : vector<1024x16xf32>
    %reduce_sum3A_361 = arith.constant dense<0.000000e+00> : vector<1024xf32>
    %reduce_sum3A_362 = vector.multi_reduction <add>, %exp3A_360, %reduce_sum3A_361 [1] : vector<1024x16xf32> to vector<1024xf32>
    %broadcast_in_dim3A_363 = vector.shape_cast %reduce_sum3A_362 : vector<1024xf32> to vector<1024x1xf32>
    %div3A_364 = vector.broadcast %broadcast_in_dim3A_363 : vector<1024x1xf32> to vector<1024x16xf32>
    %div3A_365 = arith.divf %exp3A_360, %div3A_364 : vector<1024x16xf32>
    %broadcast_in_dim3A_366 = arith.constant 0.000000e+00 : f32
    %broadcast_in_dim3A_367 = vector.broadcast %broadcast_in_dim3A_366 : f32 to vector<1024x16xf32>
    %iota3A = tpu.iota {dimensions = array<i32: 1>} : vector<1024x16xi32>
    %reduce_max3A_368 = arith.constant dense<0xFF800000> : vector<1024xf32>
    %reduce_max3A_369 = vector.multi_reduction <maximumf>, %div3A_365, %reduce_max3A_368 [1] : vector<1024x16xf32> to vector<1024xf32>
    %broadcast_in_dim3A_370 = vector.shape_cast %reduce_max3A_369 : vector<1024xf32> to vector<1024x1xf32>
    %eq3A_371 = vector.broadcast %broadcast_in_dim3A_370 : vector<1024x1xf32> to vector<1024x16xf32>
    %eq3A_372 = arith.cmpf oeq, %div3A_365, %eq3A_371 : vector<1024x16xf32>
    %jit3A_373 = arith.constant 16 : i32
    %broadcast_in_dim3A_374 = vector.broadcast %jit3A_373 : i32 to vector<1024x16xi32>
    %select_n3A_375 = arith.select %eq3A_372, %iota3A, %broadcast_in_dim3A_374 : vector<1024x16xi1>, vector<1024x16xi32>
    %reduce_min3A = arith.constant dense<2147483647> : vector<1024xi32>
    %reduce_min3A_376 = vector.multi_reduction <minsi>, %select_n3A_375, %reduce_min3A [1] : vector<1024x16xi32> to vector<1024xi32>
    %broadcast_in_dim3A_377 = vector.shape_cast %reduce_min3A_376 : vector<1024xi32> to vector<1024x1xi32>
    %eq3A_378 = vector.broadcast %broadcast_in_dim3A_377 : vector<1024x1xi32> to vector<1024x16xi32>
    %eq3A_379 = arith.cmpi eq, %select_n3A_375, %eq3A_378 : vector<1024x16xi32>
    %select_n3A_380 = arith.select %eq3A_379, %div3A_365, %broadcast_in_dim3A_367 : vector<1024x16xi1>, vector<1024x16xf32>
    %jit3A_381 = arith.constant -1.000000e+00 : f32
    %broadcast_in_dim3A_382 = vector.broadcast %jit3A_381 : f32 to vector<1024x16xf32>
    %select_n3A_383 = arith.select %eq3A_379, %broadcast_in_dim3A_382, %div3A_365 : vector<1024x16xi1>, vector<1024x16xf32>
    %reduce_max3A_384 = arith.constant dense<0xFF800000> : vector<1024xf32>
    %reduce_max3A_385 = vector.multi_reduction <maximumf>, %select_n3A_383, %reduce_max3A_384 [1] : vector<1024x16xf32> to vector<1024xf32>
    %broadcast_in_dim3A_386 = vector.shape_cast %reduce_max3A_385 : vector<1024xf32> to vector<1024x1xf32>
    %eq3A_387 = vector.broadcast %broadcast_in_dim3A_386 : vector<1024x1xf32> to vector<1024x16xf32>
    %eq3A_388 = arith.cmpf oeq, %select_n3A_383, %eq3A_387 : vector<1024x16xf32>
    %jit3A_389 = arith.constant 16 : i32
    %broadcast_in_dim3A_390 = vector.broadcast %jit3A_389 : i32 to vector<1024x16xi32>
    %select_n3A_391 = arith.select %eq3A_388, %iota3A, %broadcast_in_dim3A_390 : vector<1024x16xi1>, vector<1024x16xi32>
    %reduce_min3A_392 = arith.constant dense<2147483647> : vector<1024xi32>
    %reduce_min3A_393 = vector.multi_reduction <minsi>, %select_n3A_391, %reduce_min3A_392 [1] : vector<1024x16xi32> to vector<1024xi32>
    %broadcast_in_dim3A_394 = vector.shape_cast %reduce_min3A_393 : vector<1024xi32> to vector<1024x1xi32>
    %eq3A_395 = vector.broadcast %broadcast_in_dim3A_394 : vector<1024x1xi32> to vector<1024x16xi32>
    %eq3A_396 = arith.cmpi eq, %select_n3A_391, %eq3A_395 : vector<1024x16xi32>
    %select_n3A_397 = arith.select %eq3A_396, %div3A_365, %select_n3A_380 : vector<1024x16xi1>, vector<1024x16xf32>
    %jit3A_398 = arith.constant -1.000000e+00 : f32
    %broadcast_in_dim3A_399 = vector.broadcast %jit3A_398 : f32 to vector<1024x16xf32>
    %select_n3A_400 = arith.select %eq3A_396, %broadcast_in_dim3A_399, %select_n3A_383 : vector<1024x16xi1>, vector<1024x16xf32>
    %reduce_max3A_401 = arith.constant dense<0xFF800000> : vector<1024xf32>
    %reduce_max3A_402 = vector.multi_reduction <maximumf>, %select_n3A_400, %reduce_max3A_401 [1] : vector<1024x16xf32> to vector<1024xf32>
    %broadcast_in_dim3A_403 = vector.shape_cast %reduce_max3A_402 : vector<1024xf32> to vector<1024x1xf32>
    %eq3A_404 = vector.broadcast %broadcast_in_dim3A_403 : vector<1024x1xf32> to vector<1024x16xf32>
    %eq3A_405 = arith.cmpf oeq, %select_n3A_400, %eq3A_404 : vector<1024x16xf32>
    %jit3A_406 = arith.constant 16 : i32
    %broadcast_in_dim3A_407 = vector.broadcast %jit3A_406 : i32 to vector<1024x16xi32>
    %select_n3A_408 = arith.select %eq3A_405, %iota3A, %broadcast_in_dim3A_407 : vector<1024x16xi1>, vector<1024x16xi32>
    %reduce_min3A_409 = arith.constant dense<2147483647> : vector<1024xi32>
    %reduce_min3A_410 = vector.multi_reduction <minsi>, %select_n3A_408, %reduce_min3A_409 [1] : vector<1024x16xi32> to vector<1024xi32>
    %broadcast_in_dim3A_411 = vector.shape_cast %reduce_min3A_410 : vector<1024xi32> to vector<1024x1xi32>
    %eq3A_412 = vector.broadcast %broadcast_in_dim3A_411 : vector<1024x1xi32> to vector<1024x16xi32>
    %eq3A_413 = arith.cmpi eq, %select_n3A_408, %eq3A_412 : vector<1024x16xi32>
    %select_n3A_414 = arith.select %eq3A_413, %div3A_365, %select_n3A_397 : vector<1024x16xi1>, vector<1024x16xf32>
    %jit3A_415 = arith.constant -1.000000e+00 : f32
    %broadcast_in_dim3A_416 = vector.broadcast %jit3A_415 : f32 to vector<1024x16xf32>
    %select_n3A_417 = arith.select %eq3A_413, %broadcast_in_dim3A_416, %select_n3A_400 : vector<1024x16xi1>, vector<1024x16xf32>
    %reduce_max3A_418 = arith.constant dense<0xFF800000> : vector<1024xf32>
    %reduce_max3A_419 = vector.multi_reduction <maximumf>, %select_n3A_417, %reduce_max3A_418 [1] : vector<1024x16xf32> to vector<1024xf32>
    %broadcast_in_dim3A_420 = vector.shape_cast %reduce_max3A_419 : vector<1024xf32> to vector<1024x1xf32>
    %eq3A_421 = vector.broadcast %broadcast_in_dim3A_420 : vector<1024x1xf32> to vector<1024x16xf32>
    %eq3A_422 = arith.cmpf oeq, %select_n3A_417, %eq3A_421 : vector<1024x16xf32>
    %jit3A_423 = arith.constant 16 : i32
    %broadcast_in_dim3A_424 = vector.broadcast %jit3A_423 : i32 to vector<1024x16xi32>
    %select_n3A_425 = arith.select %eq3A_422, %iota3A, %broadcast_in_dim3A_424 : vector<1024x16xi1>, vector<1024x16xi32>
    %reduce_min3A_426 = arith.constant dense<2147483647> : vector<1024xi32>
    %reduce_min3A_427 = vector.multi_reduction <minsi>, %select_n3A_425, %reduce_min3A_426 [1] : vector<1024x16xi32> to vector<1024xi32>
    %broadcast_in_dim3A_428 = vector.shape_cast %reduce_min3A_427 : vector<1024xi32> to vector<1024x1xi32>
    %eq3A_429 = vector.broadcast %broadcast_in_dim3A_428 : vector<1024x1xi32> to vector<1024x16xi32>
    %eq3A_430 = arith.cmpi eq, %select_n3A_425, %eq3A_429 : vector<1024x16xi32>
    %select_n3A_431 = arith.select %eq3A_430, %div3A_365, %select_n3A_414 : vector<1024x16xi1>, vector<1024x16xf32>
    %jit3A_432 = arith.constant -1.000000e+00 : f32
    %broadcast_in_dim3A_433 = vector.broadcast %jit3A_432 : f32 to vector<1024x16xf32>
    %select_n3A_434 = arith.select %eq3A_430, %broadcast_in_dim3A_433, %select_n3A_417 : vector<1024x16xi1>, vector<1024x16xf32>
    %reduce_max3A_435 = arith.constant dense<0xFF800000> : vector<1024xf32>
    %reduce_max3A_436 = vector.multi_reduction <maximumf>, %select_n3A_434, %reduce_max3A_435 [1] : vector<1024x16xf32> to vector<1024xf32>
    %broadcast_in_dim3A_437 = vector.shape_cast %reduce_max3A_436 : vector<1024xf32> to vector<1024x1xf32>
    %eq3A_438 = vector.broadcast %broadcast_in_dim3A_437 : vector<1024x1xf32> to vector<1024x16xf32>
    %eq3A_439 = arith.cmpf oeq, %select_n3A_434, %eq3A_438 : vector<1024x16xf32>
    %jit3A_440 = arith.constant 16 : i32
    %broadcast_in_dim3A_441 = vector.broadcast %jit3A_440 : i32 to vector<1024x16xi32>
    %select_n3A_442 = arith.select %eq3A_439, %iota3A, %broadcast_in_dim3A_441 : vector<1024x16xi1>, vector<1024x16xi32>
    %reduce_min3A_443 = arith.constant dense<2147483647> : vector<1024xi32>
    %reduce_min3A_444 = vector.multi_reduction <minsi>, %select_n3A_442, %reduce_min3A_443 [1] : vector<1024x16xi32> to vector<1024xi32>
    %broadcast_in_dim3A_445 = vector.shape_cast %reduce_min3A_444 : vector<1024xi32> to vector<1024x1xi32>
    %eq3A_446 = vector.broadcast %broadcast_in_dim3A_445 : vector<1024x1xi32> to vector<1024x16xi32>
    %eq3A_447 = arith.cmpi eq, %select_n3A_442, %eq3A_446 : vector<1024x16xi32>
    %select_n3A_448 = arith.select %eq3A_447, %div3A_365, %select_n3A_431 : vector<1024x16xi1>, vector<1024x16xf32>
    %jit3A_449 = arith.constant -1.000000e+00 : f32
    %broadcast_in_dim3A_450 = vector.broadcast %jit3A_449 : f32 to vector<1024x16xf32>
    %select_n3A_451 = arith.select %eq3A_447, %broadcast_in_dim3A_450, %select_n3A_434 : vector<1024x16xi1>, vector<1024x16xf32>
    %reduce_max3A_452 = arith.constant dense<0xFF800000> : vector<1024xf32>
    %reduce_max3A_453 = vector.multi_reduction <maximumf>, %select_n3A_451, %reduce_max3A_452 [1] : vector<1024x16xf32> to vector<1024xf32>
    %broadcast_in_dim3A_454 = vector.shape_cast %reduce_max3A_453 : vector<1024xf32> to vector<1024x1xf32>
    %eq3A_455 = vector.broadcast %broadcast_in_dim3A_454 : vector<1024x1xf32> to vector<1024x16xf32>
    %eq3A_456 = arith.cmpf oeq, %select_n3A_451, %eq3A_455 : vector<1024x16xf32>
    %jit3A_457 = arith.constant 16 : i32
    %broadcast_in_dim3A_458 = vector.broadcast %jit3A_457 : i32 to vector<1024x16xi32>
    %select_n3A_459 = arith.select %eq3A_456, %iota3A, %broadcast_in_dim3A_458 : vector<1024x16xi1>, vector<1024x16xi32>
    %reduce_min3A_460 = arith.constant dense<2147483647> : vector<1024xi32>
    %reduce_min3A_461 = vector.multi_reduction <minsi>, %select_n3A_459, %reduce_min3A_460 [1] : vector<1024x16xi32> to vector<1024xi32>
    %broadcast_in_dim3A_462 = vector.shape_cast %reduce_min3A_461 : vector<1024xi32> to vector<1024x1xi32>
    %eq3A_463 = vector.broadcast %broadcast_in_dim3A_462 : vector<1024x1xi32> to vector<1024x16xi32>
    %eq3A_464 = arith.cmpi eq, %select_n3A_459, %eq3A_463 : vector<1024x16xi32>
    %select_n3A_465 = arith.select %eq3A_464, %div3A_365, %select_n3A_448 : vector<1024x16xi1>, vector<1024x16xf32>
    %jit3A_466 = arith.constant -1.000000e+00 : f32
    %broadcast_in_dim3A_467 = vector.broadcast %jit3A_466 : f32 to vector<1024x16xf32>
    %select_n3A_468 = arith.select %eq3A_464, %broadcast_in_dim3A_467, %select_n3A_451 : vector<1024x16xi1>, vector<1024x16xf32>
    %reduce_max3A_469 = arith.constant dense<0xFF800000> : vector<1024xf32>
    %reduce_max3A_470 = vector.multi_reduction <maximumf>, %select_n3A_468, %reduce_max3A_469 [1] : vector<1024x16xf32> to vector<1024xf32>
    %broadcast_in_dim3A_471 = vector.shape_cast %reduce_max3A_470 : vector<1024xf32> to vector<1024x1xf32>
    %eq3A_472 = vector.broadcast %broadcast_in_dim3A_471 : vector<1024x1xf32> to vector<1024x16xf32>
    %eq3A_473 = arith.cmpf oeq, %select_n3A_468, %eq3A_472 : vector<1024x16xf32>
    %jit3A_474 = arith.constant 16 : i32
    %broadcast_in_dim3A_475 = vector.broadcast %jit3A_474 : i32 to vector<1024x16xi32>
    %select_n3A_476 = arith.select %eq3A_473, %iota3A, %broadcast_in_dim3A_475 : vector<1024x16xi1>, vector<1024x16xi32>
    %reduce_min3A_477 = arith.constant dense<2147483647> : vector<1024xi32>
    %reduce_min3A_478 = vector.multi_reduction <minsi>, %select_n3A_476, %reduce_min3A_477 [1] : vector<1024x16xi32> to vector<1024xi32>
    %broadcast_in_dim3A_479 = vector.shape_cast %reduce_min3A_478 : vector<1024xi32> to vector<1024x1xi32>
    %eq3A_480 = vector.broadcast %broadcast_in_dim3A_479 : vector<1024x1xi32> to vector<1024x16xi32>
    %eq3A_481 = arith.cmpi eq, %select_n3A_476, %eq3A_480 : vector<1024x16xi32>
    %select_n3A_482 = arith.select %eq3A_481, %div3A_365, %select_n3A_465 : vector<1024x16xi1>, vector<1024x16xf32>
    %jit3A_483 = arith.constant -1.000000e+00 : f32
    %broadcast_in_dim3A_484 = vector.broadcast %jit3A_483 : f32 to vector<1024x16xf32>
    %select_n3A_485 = arith.select %eq3A_481, %broadcast_in_dim3A_484, %select_n3A_468 : vector<1024x16xi1>, vector<1024x16xf32>
    %reduce_max3A_486 = arith.constant dense<0xFF800000> : vector<1024xf32>
    %reduce_max3A_487 = vector.multi_reduction <maximumf>, %select_n3A_485, %reduce_max3A_486 [1] : vector<1024x16xf32> to vector<1024xf32>
    %broadcast_in_dim3A_488 = vector.shape_cast %reduce_max3A_487 : vector<1024xf32> to vector<1024x1xf32>
    %eq3A_489 = vector.broadcast %broadcast_in_dim3A_488 : vector<1024x1xf32> to vector<1024x16xf32>
    %eq3A_490 = arith.cmpf oeq, %select_n3A_485, %eq3A_489 : vector<1024x16xf32>
    %jit3A_491 = arith.constant 16 : i32
    %broadcast_in_dim3A_492 = vector.broadcast %jit3A_491 : i32 to vector<1024x16xi32>
    %select_n3A_493 = arith.select %eq3A_490, %iota3A, %broadcast_in_dim3A_492 : vector<1024x16xi1>, vector<1024x16xi32>
    %reduce_min3A_494 = arith.constant dense<2147483647> : vector<1024xi32>
    %reduce_min3A_495 = vector.multi_reduction <minsi>, %select_n3A_493, %reduce_min3A_494 [1] : vector<1024x16xi32> to vector<1024xi32>
    %broadcast_in_dim3A_496 = vector.shape_cast %reduce_min3A_495 : vector<1024xi32> to vector<1024x1xi32>
    %eq3A_497 = vector.broadcast %broadcast_in_dim3A_496 : vector<1024x1xi32> to vector<1024x16xi32>
    %eq3A_498 = arith.cmpi eq, %select_n3A_493, %eq3A_497 : vector<1024x16xi32>
    %select_n3A_499 = arith.select %eq3A_498, %div3A_365, %select_n3A_482 : vector<1024x16xi1>, vector<1024x16xf32>
    %reduce_sum3A_500 = arith.constant dense<0.000000e+00> : vector<1024xf32>
    %reduce_sum3A_501 = vector.multi_reduction <add>, %select_n3A_499, %reduce_sum3A_500 [1] : vector<1024x16xf32> to vector<1024xf32>
    %broadcast_in_dim3A_502 = vector.shape_cast %reduce_sum3A_501 : vector<1024xf32> to vector<1024x1xf32>
    %add3A_503 = arith.constant 9.99999971E-10 : f32
    %add3A_504 = vector.broadcast %add3A_503 : f32 to vector<1024x1xf32>
    %add3A_505 = arith.addf %broadcast_in_dim3A_502, %add3A_504 : vector<1024x1xf32>
    %div3A_506 = vector.broadcast %add3A_505 : vector<1024x1xf32> to vector<1024x16xf32>
    %div3A_507 = arith.divf %select_n3A_499, %div3A_506 : vector<1024x16xf32>
    %get3A_508 = arith.constant 0 : index
    %get3A_509 = arith.constant 0 : index
    %get3A_510 = arith.constant 0 : index
    %get3A_511 = arith.constant 0 : index
    %get3A_512 = vector.load %arg8[%get3A_508, %get3A_509, %get3A_510, %get3A_511] : memref<1x16x128x512xf32, #tpu.memory_space<vmem>>, vector<1x1x128x512xf32>
    %get3A_513 = vector.shape_cast %get3A_512 : vector<1x1x128x512xf32> to vector<128x512xf32>
    %dot_general3A_514 = arith.constant dense<0.000000e+00> : vector<1024x512xf32>
    %dot_general3A_515 = tpu.matmul %add3A_344, %get3A_513, %dot_general3A_514 {dimension_numbers = #tpu.dot_dimension_numbers<[1], [0], [0], [1], [0, 0, 1, 1], [], []>, transpose_lhs_hint = false} : vector<1024x128xf32>, vector<128x512xf32>, vector<1024x512xf32> -> vector<1024x512xf32>
    %mul3A_516 = arith.mulf %dot_general3A_515, %dot_general3A_515 : vector<1024x512xf32>
    %mul3A_517 = arith.constant 0.0713548139 : f32
    %mul3A_518 = vector.broadcast %mul3A_517 : f32 to vector<1024x512xf32>
    %mul3A_519 = arith.mulf %mul3A_518, %mul3A_516 : vector<1024x512xf32>
    %add3A_520 = arith.constant 1.59576917 : f32
    %add3A_521 = vector.broadcast %add3A_520 : f32 to vector<1024x512xf32>
    %add3A_522 = arith.addf %mul3A_519, %add3A_521 : vector<1024x512xf32>
    %mul3A_523 = arith.mulf %dot_general3A_515, %add3A_522 : vector<1024x512xf32>
    %logistic3A = arith.negf %mul3A_523 : vector<1024x512xf32>
    %logistic3A_524 = math.exp %logistic3A : vector<1024x512xf32>
    %logistic3A_525 = arith.constant 1.000000e+00 : f32
    %logistic3A_526 = vector.broadcast %logistic3A_525 : f32 to vector<1024x512xf32>
    %logistic3A_527 = arith.addf %logistic3A_526, %logistic3A_524 : vector<1024x512xf32>
    %logistic3A_528 = arith.divf %logistic3A_526, %logistic3A_527 : vector<1024x512xf32>
    %mul3A_529 = arith.mulf %dot_general3A_515, %logistic3A_528 : vector<1024x512xf32>
    %get3A_530 = arith.constant 0 : index
    %get3A_531 = arith.constant 0 : index
    %get3A_532 = arith.constant 0 : index
    %get3A_533 = arith.constant 0 : index
    %get3A_534 = vector.load %arg9[%get3A_530, %get3A_531, %get3A_532, %get3A_533] : memref<1x16x512x128xf32, #tpu.memory_space<vmem>>, vector<1x1x512x128xf32>
    %get3A_535 = vector.shape_cast %get3A_534 : vector<1x1x512x128xf32> to vector<512x128xf32>
    %dot_general3A_536 = arith.constant dense<0.000000e+00> : vector<1024x128xf32>
    %dot_general3A_537 = tpu.matmul %mul3A_529, %get3A_535, %dot_general3A_536 {dimension_numbers = #tpu.dot_dimension_numbers<[1], [0], [0], [1], [0, 0, 1, 1], [], []>, transpose_lhs_hint = false} : vector<1024x512xf32>, vector<512x128xf32>, vector<1024x128xf32> -> vector<1024x128xf32>
    %slice3A_538 = vector.extract_strided_slice %div3A_507 {offsets = [0, 0], sizes = [1024, 1], strides = [1, 1]} : vector<1024x16xf32> to vector<1024x1xf32>
    %mul3A_539 = vector.broadcast %slice3A_538 : vector<1024x1xf32> to vector<1024x128xf32>
    %mul3A_540 = arith.mulf %dot_general3A_537, %mul3A_539 : vector<1024x128xf32>
    %get3A_541 = arith.constant 0 : index
    %get3A_542 = arith.constant 1 : index
    %get3A_543 = arith.constant 0 : index
    %get3A_544 = arith.constant 0 : index
    %get3A_545 = vector.load %arg8[%get3A_541, %get3A_542, %get3A_543, %get3A_544] : memref<1x16x128x512xf32, #tpu.memory_space<vmem>>, vector<1x1x128x512xf32>
    %get3A_546 = vector.shape_cast %get3A_545 : vector<1x1x128x512xf32> to vector<128x512xf32>
    %dot_general3A_547 = arith.constant dense<0.000000e+00> : vector<1024x512xf32>
    %dot_general3A_548 = tpu.matmul %add3A_344, %get3A_546, %dot_general3A_547 {dimension_numbers = #tpu.dot_dimension_numbers<[1], [0], [0], [1], [0, 0, 1, 1], [], []>, transpose_lhs_hint = false} : vector<1024x128xf32>, vector<128x512xf32>, vector<1024x512xf32> -> vector<1024x512xf32>
    %mul3A_549 = arith.mulf %dot_general3A_548, %dot_general3A_548 : vector<1024x512xf32>
    %mul3A_550 = arith.constant 0.0713548139 : f32
    %mul3A_551 = vector.broadcast %mul3A_550 : f32 to vector<1024x512xf32>
    %mul3A_552 = arith.mulf %mul3A_551, %mul3A_549 : vector<1024x512xf32>
    %add3A_553 = arith.constant 1.59576917 : f32
    %add3A_554 = vector.broadcast %add3A_553 : f32 to vector<1024x512xf32>
    %add3A_555 = arith.addf %mul3A_552, %add3A_554 : vector<1024x512xf32>
    %mul3A_556 = arith.mulf %dot_general3A_548, %add3A_555 : vector<1024x512xf32>
    %logistic3A_557 = arith.negf %mul3A_556 : vector<1024x512xf32>
    %logistic3A_558 = math.exp %logistic3A_557 : vector<1024x512xf32>
    %logistic3A_559 = arith.constant 1.000000e+00 : f32
    %logistic3A_560 = vector.broadcast %logistic3A_559 : f32 to vector<1024x512xf32>
    %logistic3A_561 = arith.addf %logistic3A_560, %logistic3A_558 : vector<1024x512xf32>
    %logistic3A_562 = arith.divf %logistic3A_560, %logistic3A_561 : vector<1024x512xf32>
    %mul3A_563 = arith.mulf %dot_general3A_548, %logistic3A_562 : vector<1024x512xf32>
    %get3A_564 = arith.constant 0 : index
    %get3A_565 = arith.constant 1 : index
    %get3A_566 = arith.constant 0 : index
    %get3A_567 = arith.constant 0 : index
    %get3A_568 = vector.load %arg9[%get3A_564, %get3A_565, %get3A_566, %get3A_567] : memref<1x16x512x128xf32, #tpu.memory_space<vmem>>, vector<1x1x512x128xf32>
    %get3A_569 = vector.shape_cast %get3A_568 : vector<1x1x512x128xf32> to vector<512x128xf32>
    %dot_general3A_570 = arith.constant dense<0.000000e+00> : vector<1024x128xf32>
    %dot_general3A_571 = tpu.matmul %mul3A_563, %get3A_569, %dot_general3A_570 {dimension_numbers = #tpu.dot_dimension_numbers<[1], [0], [0], [1], [0, 0, 1, 1], [], []>, transpose_lhs_hint = false} : vector<1024x512xf32>, vector<512x128xf32>, vector<1024x128xf32> -> vector<1024x128xf32>
    %slice3A_572 = vector.extract_strided_slice %div3A_507 {offsets = [0, 1], sizes = [1024, 1], strides = [1, 1]} : vector<1024x16xf32> to vector<1024x1xf32>
    %mul3A_573 = vector.broadcast %slice3A_572 : vector<1024x1xf32> to vector<1024x128xf32>
    %mul3A_574 = arith.mulf %dot_general3A_571, %mul3A_573 : vector<1024x128xf32>
    %get3A_575 = arith.constant 0 : index
    %get3A_576 = arith.constant 2 : index
    %get3A_577 = arith.constant 0 : index
    %get3A_578 = arith.constant 0 : index
    %get3A_579 = vector.load %arg8[%get3A_575, %get3A_576, %get3A_577, %get3A_578] : memref<1x16x128x512xf32, #tpu.memory_space<vmem>>, vector<1x1x128x512xf32>
    %get3A_580 = vector.shape_cast %get3A_579 : vector<1x1x128x512xf32> to vector<128x512xf32>
    %dot_general3A_581 = arith.constant dense<0.000000e+00> : vector<1024x512xf32>
    %dot_general3A_582 = tpu.matmul %add3A_344, %get3A_580, %dot_general3A_581 {dimension_numbers = #tpu.dot_dimension_numbers<[1], [0], [0], [1], [0, 0, 1, 1], [], []>, transpose_lhs_hint = false} : vector<1024x128xf32>, vector<128x512xf32>, vector<1024x512xf32> -> vector<1024x512xf32>
    %mul3A_583 = arith.mulf %dot_general3A_582, %dot_general3A_582 : vector<1024x512xf32>
    %mul3A_584 = arith.constant 0.0713548139 : f32
    %mul3A_585 = vector.broadcast %mul3A_584 : f32 to vector<1024x512xf32>
    %mul3A_586 = arith.mulf %mul3A_585, %mul3A_583 : vector<1024x512xf32>
    %add3A_587 = arith.constant 1.59576917 : f32
    %add3A_588 = vector.broadcast %add3A_587 : f32 to vector<1024x512xf32>
    %add3A_589 = arith.addf %mul3A_586, %add3A_588 : vector<1024x512xf32>
    %mul3A_590 = arith.mulf %dot_general3A_582, %add3A_589 : vector<1024x512xf32>
    %logistic3A_591 = arith.negf %mul3A_590 : vector<1024x512xf32>
    %logistic3A_592 = math.exp %logistic3A_591 : vector<1024x512xf32>
    %logistic3A_593 = arith.constant 1.000000e+00 : f32
    %logistic3A_594 = vector.broadcast %logistic3A_593 : f32 to vector<1024x512xf32>
    %logistic3A_595 = arith.addf %logistic3A_594, %logistic3A_592 : vector<1024x512xf32>
    %logistic3A_596 = arith.divf %logistic3A_594, %logistic3A_595 : vector<1024x512xf32>
    %mul3A_597 = arith.mulf %dot_general3A_582, %logistic3A_596 : vector<1024x512xf32>
    %get3A_598 = arith.constant 0 : index
    %get3A_599 = arith.constant 2 : index
    %get3A_600 = arith.constant 0 : index
    %get3A_601 = arith.constant 0 : index
    %get3A_602 = vector.load %arg9[%get3A_598, %get3A_599, %get3A_600, %get3A_601] : memref<1x16x512x128xf32, #tpu.memory_space<vmem>>, vector<1x1x512x128xf32>
    %get3A_603 = vector.shape_cast %get3A_602 : vector<1x1x512x128xf32> to vector<512x128xf32>
    %dot_general3A_604 = arith.constant dense<0.000000e+00> : vector<1024x128xf32>
    %dot_general3A_605 = tpu.matmul %mul3A_597, %get3A_603, %dot_general3A_604 {dimension_numbers = #tpu.dot_dimension_numbers<[1], [0], [0], [1], [0, 0, 1, 1], [], []>, transpose_lhs_hint = false} : vector<1024x512xf32>, vector<512x128xf32>, vector<1024x128xf32> -> vector<1024x128xf32>
    %slice3A_606 = vector.extract_strided_slice %div3A_507 {offsets = [0, 2], sizes = [1024, 1], strides = [1, 1]} : vector<1024x16xf32> to vector<1024x1xf32>
    %mul3A_607 = vector.broadcast %slice3A_606 : vector<1024x1xf32> to vector<1024x128xf32>
    %mul3A_608 = arith.mulf %dot_general3A_605, %mul3A_607 : vector<1024x128xf32>
    %get3A_609 = arith.constant 0 : index
    %get3A_610 = arith.constant 3 : index
    %get3A_611 = arith.constant 0 : index
    %get3A_612 = arith.constant 0 : index
    %get3A_613 = vector.load %arg8[%get3A_609, %get3A_610, %get3A_611, %get3A_612] : memref<1x16x128x512xf32, #tpu.memory_space<vmem>>, vector<1x1x128x512xf32>
    %get3A_614 = vector.shape_cast %get3A_613 : vector<1x1x128x512xf32> to vector<128x512xf32>
    %dot_general3A_615 = arith.constant dense<0.000000e+00> : vector<1024x512xf32>
    %dot_general3A_616 = tpu.matmul %add3A_344, %get3A_614, %dot_general3A_615 {dimension_numbers = #tpu.dot_dimension_numbers<[1], [0], [0], [1], [0, 0, 1, 1], [], []>, transpose_lhs_hint = false} : vector<1024x128xf32>, vector<128x512xf32>, vector<1024x512xf32> -> vector<1024x512xf32>
    %mul3A_617 = arith.mulf %dot_general3A_616, %dot_general3A_616 : vector<1024x512xf32>
    %mul3A_618 = arith.constant 0.0713548139 : f32
    %mul3A_619 = vector.broadcast %mul3A_618 : f32 to vector<1024x512xf32>
    %mul3A_620 = arith.mulf %mul3A_619, %mul3A_617 : vector<1024x512xf32>
    %add3A_621 = arith.constant 1.59576917 : f32
    %add3A_622 = vector.broadcast %add3A_621 : f32 to vector<1024x512xf32>
    %add3A_623 = arith.addf %mul3A_620, %add3A_622 : vector<1024x512xf32>
    %mul3A_624 = arith.mulf %dot_general3A_616, %add3A_623 : vector<1024x512xf32>
    %logistic3A_625 = arith.negf %mul3A_624 : vector<1024x512xf32>
    %logistic3A_626 = math.exp %logistic3A_625 : vector<1024x512xf32>
    %logistic3A_627 = arith.constant 1.000000e+00 : f32
    %logistic3A_628 = vector.broadcast %logistic3A_627 : f32 to vector<1024x512xf32>
    %logistic3A_629 = arith.addf %logistic3A_628, %logistic3A_626 : vector<1024x512xf32>
    %logistic3A_630 = arith.divf %logistic3A_628, %logistic3A_629 : vector<1024x512xf32>
    %mul3A_631 = arith.mulf %dot_general3A_616, %logistic3A_630 : vector<1024x512xf32>
    %get3A_632 = arith.constant 0 : index
    %get3A_633 = arith.constant 3 : index
    %get3A_634 = arith.constant 0 : index
    %get3A_635 = arith.constant 0 : index
    %get3A_636 = vector.load %arg9[%get3A_632, %get3A_633, %get3A_634, %get3A_635] : memref<1x16x512x128xf32, #tpu.memory_space<vmem>>, vector<1x1x512x128xf32>
    %get3A_637 = vector.shape_cast %get3A_636 : vector<1x1x512x128xf32> to vector<512x128xf32>
    %dot_general3A_638 = arith.constant dense<0.000000e+00> : vector<1024x128xf32>
    %dot_general3A_639 = tpu.matmul %mul3A_631, %get3A_637, %dot_general3A_638 {dimension_numbers = #tpu.dot_dimension_numbers<[1], [0], [0], [1], [0, 0, 1, 1], [], []>, transpose_lhs_hint = false} : vector<1024x512xf32>, vector<512x128xf32>, vector<1024x128xf32> -> vector<1024x128xf32>
    %slice3A_640 = vector.extract_strided_slice %div3A_507 {offsets = [0, 3], sizes = [1024, 1], strides = [1, 1]} : vector<1024x16xf32> to vector<1024x1xf32>
    %mul3A_641 = vector.broadcast %slice3A_640 : vector<1024x1xf32> to vector<1024x128xf32>
    %mul3A_642 = arith.mulf %dot_general3A_639, %mul3A_641 : vector<1024x128xf32>
    %get3A_643 = arith.constant 0 : index
    %get3A_644 = arith.constant 4 : index
    %get3A_645 = arith.constant 0 : index
    %get3A_646 = arith.constant 0 : index
    %get3A_647 = vector.load %arg8[%get3A_643, %get3A_644, %get3A_645, %get3A_646] : memref<1x16x128x512xf32, #tpu.memory_space<vmem>>, vector<1x1x128x512xf32>
    %get3A_648 = vector.shape_cast %get3A_647 : vector<1x1x128x512xf32> to vector<128x512xf32>
    %dot_general3A_649 = arith.constant dense<0.000000e+00> : vector<1024x512xf32>
    %dot_general3A_650 = tpu.matmul %add3A_344, %get3A_648, %dot_general3A_649 {dimension_numbers = #tpu.dot_dimension_numbers<[1], [0], [0], [1], [0, 0, 1, 1], [], []>, transpose_lhs_hint = false} : vector<1024x128xf32>, vector<128x512xf32>, vector<1024x512xf32> -> vector<1024x512xf32>
    %mul3A_651 = arith.mulf %dot_general3A_650, %dot_general3A_650 : vector<1024x512xf32>
    %mul3A_652 = arith.constant 0.0713548139 : f32
    %mul3A_653 = vector.broadcast %mul3A_652 : f32 to vector<1024x512xf32>
    %mul3A_654 = arith.mulf %mul3A_653, %mul3A_651 : vector<1024x512xf32>
    %add3A_655 = arith.constant 1.59576917 : f32
    %add3A_656 = vector.broadcast %add3A_655 : f32 to vector<1024x512xf32>
    %add3A_657 = arith.addf %mul3A_654, %add3A_656 : vector<1024x512xf32>
    %mul3A_658 = arith.mulf %dot_general3A_650, %add3A_657 : vector<1024x512xf32>
    %logistic3A_659 = arith.negf %mul3A_658 : vector<1024x512xf32>
    %logistic3A_660 = math.exp %logistic3A_659 : vector<1024x512xf32>
    %logistic3A_661 = arith.constant 1.000000e+00 : f32
    %logistic3A_662 = vector.broadcast %logistic3A_661 : f32 to vector<1024x512xf32>
    %logistic3A_663 = arith.addf %logistic3A_662, %logistic3A_660 : vector<1024x512xf32>
    %logistic3A_664 = arith.divf %logistic3A_662, %logistic3A_663 : vector<1024x512xf32>
    %mul3A_665 = arith.mulf %dot_general3A_650, %logistic3A_664 : vector<1024x512xf32>
    %get3A_666 = arith.constant 0 : index
    %get3A_667 = arith.constant 4 : index
    %get3A_668 = arith.constant 0 : index
    %get3A_669 = arith.constant 0 : index
    %get3A_670 = vector.load %arg9[%get3A_666, %get3A_667, %get3A_668, %get3A_669] : memref<1x16x512x128xf32, #tpu.memory_space<vmem>>, vector<1x1x512x128xf32>
    %get3A_671 = vector.shape_cast %get3A_670 : vector<1x1x512x128xf32> to vector<512x128xf32>
    %dot_general3A_672 = arith.constant dense<0.000000e+00> : vector<1024x128xf32>
    %dot_general3A_673 = tpu.matmul %mul3A_665, %get3A_671, %dot_general3A_672 {dimension_numbers = #tpu.dot_dimension_numbers<[1], [0], [0], [1], [0, 0, 1, 1], [], []>, transpose_lhs_hint = false} : vector<1024x512xf32>, vector<512x128xf32>, vector<1024x128xf32> -> vector<1024x128xf32>
    %slice3A_674 = vector.extract_strided_slice %div3A_507 {offsets = [0, 4], sizes = [1024, 1], strides = [1, 1]} : vector<1024x16xf32> to vector<1024x1xf32>
    %mul3A_675 = vector.broadcast %slice3A_674 : vector<1024x1xf32> to vector<1024x128xf32>
    %mul3A_676 = arith.mulf %dot_general3A_673, %mul3A_675 : vector<1024x128xf32>
    %get3A_677 = arith.constant 0 : index
    %get3A_678 = arith.constant 5 : index
    %get3A_679 = arith.constant 0 : index
    %get3A_680 = arith.constant 0 : index
    %get3A_681 = vector.load %arg8[%get3A_677, %get3A_678, %get3A_679, %get3A_680] : memref<1x16x128x512xf32, #tpu.memory_space<vmem>>, vector<1x1x128x512xf32>
    %get3A_682 = vector.shape_cast %get3A_681 : vector<1x1x128x512xf32> to vector<128x512xf32>
    %dot_general3A_683 = arith.constant dense<0.000000e+00> : vector<1024x512xf32>
    %dot_general3A_684 = tpu.matmul %add3A_344, %get3A_682, %dot_general3A_683 {dimension_numbers = #tpu.dot_dimension_numbers<[1], [0], [0], [1], [0, 0, 1, 1], [], []>, transpose_lhs_hint = false} : vector<1024x128xf32>, vector<128x512xf32>, vector<1024x512xf32> -> vector<1024x512xf32>
    %mul3A_685 = arith.mulf %dot_general3A_684, %dot_general3A_684 : vector<1024x512xf32>
    %mul3A_686 = arith.constant 0.0713548139 : f32
    %mul3A_687 = vector.broadcast %mul3A_686 : f32 to vector<1024x512xf32>
    %mul3A_688 = arith.mulf %mul3A_687, %mul3A_685 : vector<1024x512xf32>
    %add3A_689 = arith.constant 1.59576917 : f32
    %add3A_690 = vector.broadcast %add3A_689 : f32 to vector<1024x512xf32>
    %add3A_691 = arith.addf %mul3A_688, %add3A_690 : vector<1024x512xf32>
    %mul3A_692 = arith.mulf %dot_general3A_684, %add3A_691 : vector<1024x512xf32>
    %logistic3A_693 = arith.negf %mul3A_692 : vector<1024x512xf32>
    %logistic3A_694 = math.exp %logistic3A_693 : vector<1024x512xf32>
    %logistic3A_695 = arith.constant 1.000000e+00 : f32
    %logistic3A_696 = vector.broadcast %logistic3A_695 : f32 to vector<1024x512xf32>
    %logistic3A_697 = arith.addf %logistic3A_696, %logistic3A_694 : vector<1024x512xf32>
    %logistic3A_698 = arith.divf %logistic3A_696, %logistic3A_697 : vector<1024x512xf32>
    %mul3A_699 = arith.mulf %dot_general3A_684, %logistic3A_698 : vector<1024x512xf32>
    %get3A_700 = arith.constant 0 : index
    %get3A_701 = arith.constant 5 : index
    %get3A_702 = arith.constant 0 : index
    %get3A_703 = arith.constant 0 : index
    %get3A_704 = vector.load %arg9[%get3A_700, %get3A_701, %get3A_702, %get3A_703] : memref<1x16x512x128xf32, #tpu.memory_space<vmem>>, vector<1x1x512x128xf32>
    %get3A_705 = vector.shape_cast %get3A_704 : vector<1x1x512x128xf32> to vector<512x128xf32>
    %dot_general3A_706 = arith.constant dense<0.000000e+00> : vector<1024x128xf32>
    %dot_general3A_707 = tpu.matmul %mul3A_699, %get3A_705, %dot_general3A_706 {dimension_numbers = #tpu.dot_dimension_numbers<[1], [0], [0], [1], [0, 0, 1, 1], [], []>, transpose_lhs_hint = false} : vector<1024x512xf32>, vector<512x128xf32>, vector<1024x128xf32> -> vector<1024x128xf32>
    %slice3A_708 = vector.extract_strided_slice %div3A_507 {offsets = [0, 5], sizes = [1024, 1], strides = [1, 1]} : vector<1024x16xf32> to vector<1024x1xf32>
    %mul3A_709 = vector.broadcast %slice3A_708 : vector<1024x1xf32> to vector<1024x128xf32>
    %mul3A_710 = arith.mulf %dot_general3A_707, %mul3A_709 : vector<1024x128xf32>
    %get3A_711 = arith.constant 0 : index
    %get3A_712 = arith.constant 6 : index
    %get3A_713 = arith.constant 0 : index
    %get3A_714 = arith.constant 0 : index
    %get3A_715 = vector.load %arg8[%get3A_711, %get3A_712, %get3A_713, %get3A_714] : memref<1x16x128x512xf32, #tpu.memory_space<vmem>>, vector<1x1x128x512xf32>
    %get3A_716 = vector.shape_cast %get3A_715 : vector<1x1x128x512xf32> to vector<128x512xf32>
    %dot_general3A_717 = arith.constant dense<0.000000e+00> : vector<1024x512xf32>
    %dot_general3A_718 = tpu.matmul %add3A_344, %get3A_716, %dot_general3A_717 {dimension_numbers = #tpu.dot_dimension_numbers<[1], [0], [0], [1], [0, 0, 1, 1], [], []>, transpose_lhs_hint = false} : vector<1024x128xf32>, vector<128x512xf32>, vector<1024x512xf32> -> vector<1024x512xf32>
    %mul3A_719 = arith.mulf %dot_general3A_718, %dot_general3A_718 : vector<1024x512xf32>
    %mul3A_720 = arith.constant 0.0713548139 : f32
    %mul3A_721 = vector.broadcast %mul3A_720 : f32 to vector<1024x512xf32>
    %mul3A_722 = arith.mulf %mul3A_721, %mul3A_719 : vector<1024x512xf32>
    %add3A_723 = arith.constant 1.59576917 : f32
    %add3A_724 = vector.broadcast %add3A_723 : f32 to vector<1024x512xf32>
    %add3A_725 = arith.addf %mul3A_722, %add3A_724 : vector<1024x512xf32>
    %mul3A_726 = arith.mulf %dot_general3A_718, %add3A_725 : vector<1024x512xf32>
    %logistic3A_727 = arith.negf %mul3A_726 : vector<1024x512xf32>
    %logistic3A_728 = math.exp %logistic3A_727 : vector<1024x512xf32>
    %logistic3A_729 = arith.constant 1.000000e+00 : f32
    %logistic3A_730 = vector.broadcast %logistic3A_729 : f32 to vector<1024x512xf32>
    %logistic3A_731 = arith.addf %logistic3A_730, %logistic3A_728 : vector<1024x512xf32>
    %logistic3A_732 = arith.divf %logistic3A_730, %logistic3A_731 : vector<1024x512xf32>
    %mul3A_733 = arith.mulf %dot_general3A_718, %logistic3A_732 : vector<1024x512xf32>
    %get3A_734 = arith.constant 0 : index
    %get3A_735 = arith.constant 6 : index
    %get3A_736 = arith.constant 0 : index
    %get3A_737 = arith.constant 0 : index
    %get3A_738 = vector.load %arg9[%get3A_734, %get3A_735, %get3A_736, %get3A_737] : memref<1x16x512x128xf32, #tpu.memory_space<vmem>>, vector<1x1x512x128xf32>
    %get3A_739 = vector.shape_cast %get3A_738 : vector<1x1x512x128xf32> to vector<512x128xf32>
    %dot_general3A_740 = arith.constant dense<0.000000e+00> : vector<1024x128xf32>
    %dot_general3A_741 = tpu.matmul %mul3A_733, %get3A_739, %dot_general3A_740 {dimension_numbers = #tpu.dot_dimension_numbers<[1], [0], [0], [1], [0, 0, 1, 1], [], []>, transpose_lhs_hint = false} : vector<1024x512xf32>, vector<512x128xf32>, vector<1024x128xf32> -> vector<1024x128xf32>
    %slice3A_742 = vector.extract_strided_slice %div3A_507 {offsets = [0, 6], sizes = [1024, 1], strides = [1, 1]} : vector<1024x16xf32> to vector<1024x1xf32>
    %mul3A_743 = vector.broadcast %slice3A_742 : vector<1024x1xf32> to vector<1024x128xf32>
    %mul3A_744 = arith.mulf %dot_general3A_741, %mul3A_743 : vector<1024x128xf32>
    %get3A_745 = arith.constant 0 : index
    %get3A_746 = arith.constant 7 : index
    %get3A_747 = arith.constant 0 : index
    %get3A_748 = arith.constant 0 : index
    %get3A_749 = vector.load %arg8[%get3A_745, %get3A_746, %get3A_747, %get3A_748] : memref<1x16x128x512xf32, #tpu.memory_space<vmem>>, vector<1x1x128x512xf32>
    %get3A_750 = vector.shape_cast %get3A_749 : vector<1x1x128x512xf32> to vector<128x512xf32>
    %dot_general3A_751 = arith.constant dense<0.000000e+00> : vector<1024x512xf32>
    %dot_general3A_752 = tpu.matmul %add3A_344, %get3A_750, %dot_general3A_751 {dimension_numbers = #tpu.dot_dimension_numbers<[1], [0], [0], [1], [0, 0, 1, 1], [], []>, transpose_lhs_hint = false} : vector<1024x128xf32>, vector<128x512xf32>, vector<1024x512xf32> -> vector<1024x512xf32>
    %mul3A_753 = arith.mulf %dot_general3A_752, %dot_general3A_752 : vector<1024x512xf32>
    %mul3A_754 = arith.constant 0.0713548139 : f32
    %mul3A_755 = vector.broadcast %mul3A_754 : f32 to vector<1024x512xf32>
    %mul3A_756 = arith.mulf %mul3A_755, %mul3A_753 : vector<1024x512xf32>
    %add3A_757 = arith.constant 1.59576917 : f32
    %add3A_758 = vector.broadcast %add3A_757 : f32 to vector<1024x512xf32>
    %add3A_759 = arith.addf %mul3A_756, %add3A_758 : vector<1024x512xf32>
    %mul3A_760 = arith.mulf %dot_general3A_752, %add3A_759 : vector<1024x512xf32>
    %logistic3A_761 = arith.negf %mul3A_760 : vector<1024x512xf32>
    %logistic3A_762 = math.exp %logistic3A_761 : vector<1024x512xf32>
    %logistic3A_763 = arith.constant 1.000000e+00 : f32
    %logistic3A_764 = vector.broadcast %logistic3A_763 : f32 to vector<1024x512xf32>
    %logistic3A_765 = arith.addf %logistic3A_764, %logistic3A_762 : vector<1024x512xf32>
    %logistic3A_766 = arith.divf %logistic3A_764, %logistic3A_765 : vector<1024x512xf32>
    %mul3A_767 = arith.mulf %dot_general3A_752, %logistic3A_766 : vector<1024x512xf32>
    %get3A_768 = arith.constant 0 : index
    %get3A_769 = arith.constant 7 : index
    %get3A_770 = arith.constant 0 : index
    %get3A_771 = arith.constant 0 : index
    %get3A_772 = vector.load %arg9[%get3A_768, %get3A_769, %get3A_770, %get3A_771] : memref<1x16x512x128xf32, #tpu.memory_space<vmem>>, vector<1x1x512x128xf32>
    %get3A_773 = vector.shape_cast %get3A_772 : vector<1x1x512x128xf32> to vector<512x128xf32>
    %dot_general3A_774 = arith.constant dense<0.000000e+00> : vector<1024x128xf32>
    %dot_general3A_775 = tpu.matmul %mul3A_767, %get3A_773, %dot_general3A_774 {dimension_numbers = #tpu.dot_dimension_numbers<[1], [0], [0], [1], [0, 0, 1, 1], [], []>, transpose_lhs_hint = false} : vector<1024x512xf32>, vector<512x128xf32>, vector<1024x128xf32> -> vector<1024x128xf32>
    %slice3A_776 = vector.extract_strided_slice %div3A_507 {offsets = [0, 7], sizes = [1024, 1], strides = [1, 1]} : vector<1024x16xf32> to vector<1024x1xf32>
    %mul3A_777 = vector.broadcast %slice3A_776 : vector<1024x1xf32> to vector<1024x128xf32>
    %mul3A_778 = arith.mulf %dot_general3A_775, %mul3A_777 : vector<1024x128xf32>
    %get3A_779 = arith.constant 0 : index
    %get3A_780 = arith.constant 8 : index
    %get3A_781 = arith.constant 0 : index
    %get3A_782 = arith.constant 0 : index
    %get3A_783 = vector.load %arg8[%get3A_779, %get3A_780, %get3A_781, %get3A_782] : memref<1x16x128x512xf32, #tpu.memory_space<vmem>>, vector<1x1x128x512xf32>
    %get3A_784 = vector.shape_cast %get3A_783 : vector<1x1x128x512xf32> to vector<128x512xf32>
    %dot_general3A_785 = arith.constant dense<0.000000e+00> : vector<1024x512xf32>
    %dot_general3A_786 = tpu.matmul %add3A_344, %get3A_784, %dot_general3A_785 {dimension_numbers = #tpu.dot_dimension_numbers<[1], [0], [0], [1], [0, 0, 1, 1], [], []>, transpose_lhs_hint = false} : vector<1024x128xf32>, vector<128x512xf32>, vector<1024x512xf32> -> vector<1024x512xf32>
    %mul3A_787 = arith.mulf %dot_general3A_786, %dot_general3A_786 : vector<1024x512xf32>
    %mul3A_788 = arith.constant 0.0713548139 : f32
    %mul3A_789 = vector.broadcast %mul3A_788 : f32 to vector<1024x512xf32>
    %mul3A_790 = arith.mulf %mul3A_789, %mul3A_787 : vector<1024x512xf32>
    %add3A_791 = arith.constant 1.59576917 : f32
    %add3A_792 = vector.broadcast %add3A_791 : f32 to vector<1024x512xf32>
    %add3A_793 = arith.addf %mul3A_790, %add3A_792 : vector<1024x512xf32>
    %mul3A_794 = arith.mulf %dot_general3A_786, %add3A_793 : vector<1024x512xf32>
    %logistic3A_795 = arith.negf %mul3A_794 : vector<1024x512xf32>
    %logistic3A_796 = math.exp %logistic3A_795 : vector<1024x512xf32>
    %logistic3A_797 = arith.constant 1.000000e+00 : f32
    %logistic3A_798 = vector.broadcast %logistic3A_797 : f32 to vector<1024x512xf32>
    %logistic3A_799 = arith.addf %logistic3A_798, %logistic3A_796 : vector<1024x512xf32>
    %logistic3A_800 = arith.divf %logistic3A_798, %logistic3A_799 : vector<1024x512xf32>
    %mul3A_801 = arith.mulf %dot_general3A_786, %logistic3A_800 : vector<1024x512xf32>
    %get3A_802 = arith.constant 0 : index
    %get3A_803 = arith.constant 8 : index
    %get3A_804 = arith.constant 0 : index
    %get3A_805 = arith.constant 0 : index
    %get3A_806 = vector.load %arg9[%get3A_802, %get3A_803, %get3A_804, %get3A_805] : memref<1x16x512x128xf32, #tpu.memory_space<vmem>>, vector<1x1x512x128xf32>
    %get3A_807 = vector.shape_cast %get3A_806 : vector<1x1x512x128xf32> to vector<512x128xf32>
    %dot_general3A_808 = arith.constant dense<0.000000e+00> : vector<1024x128xf32>
    %dot_general3A_809 = tpu.matmul %mul3A_801, %get3A_807, %dot_general3A_808 {dimension_numbers = #tpu.dot_dimension_numbers<[1], [0], [0], [1], [0, 0, 1, 1], [], []>, transpose_lhs_hint = false} : vector<1024x512xf32>, vector<512x128xf32>, vector<1024x128xf32> -> vector<1024x128xf32>
    %slice3A_810 = vector.extract_strided_slice %div3A_507 {offsets = [0, 8], sizes = [1024, 1], strides = [1, 1]} : vector<1024x16xf32> to vector<1024x1xf32>
    %mul3A_811 = vector.broadcast %slice3A_810 : vector<1024x1xf32> to vector<1024x128xf32>
    %mul3A_812 = arith.mulf %dot_general3A_809, %mul3A_811 : vector<1024x128xf32>
    %get3A_813 = arith.constant 0 : index
    %get3A_814 = arith.constant 9 : index
    %get3A_815 = arith.constant 0 : index
    %get3A_816 = arith.constant 0 : index
    %get3A_817 = vector.load %arg8[%get3A_813, %get3A_814, %get3A_815, %get3A_816] : memref<1x16x128x512xf32, #tpu.memory_space<vmem>>, vector<1x1x128x512xf32>
    %get3A_818 = vector.shape_cast %get3A_817 : vector<1x1x128x512xf32> to vector<128x512xf32>
    %dot_general3A_819 = arith.constant dense<0.000000e+00> : vector<1024x512xf32>
    %dot_general3A_820 = tpu.matmul %add3A_344, %get3A_818, %dot_general3A_819 {dimension_numbers = #tpu.dot_dimension_numbers<[1], [0], [0], [1], [0, 0, 1, 1], [], []>, transpose_lhs_hint = false} : vector<1024x128xf32>, vector<128x512xf32>, vector<1024x512xf32> -> vector<1024x512xf32>
    %mul3A_821 = arith.mulf %dot_general3A_820, %dot_general3A_820 : vector<1024x512xf32>
    %mul3A_822 = arith.constant 0.0713548139 : f32
    %mul3A_823 = vector.broadcast %mul3A_822 : f32 to vector<1024x512xf32>
    %mul3A_824 = arith.mulf %mul3A_823, %mul3A_821 : vector<1024x512xf32>
    %add3A_825 = arith.constant 1.59576917 : f32
    %add3A_826 = vector.broadcast %add3A_825 : f32 to vector<1024x512xf32>
    %add3A_827 = arith.addf %mul3A_824, %add3A_826 : vector<1024x512xf32>
    %mul3A_828 = arith.mulf %dot_general3A_820, %add3A_827 : vector<1024x512xf32>
    %logistic3A_829 = arith.negf %mul3A_828 : vector<1024x512xf32>
    %logistic3A_830 = math.exp %logistic3A_829 : vector<1024x512xf32>
    %logistic3A_831 = arith.constant 1.000000e+00 : f32
    %logistic3A_832 = vector.broadcast %logistic3A_831 : f32 to vector<1024x512xf32>
    %logistic3A_833 = arith.addf %logistic3A_832, %logistic3A_830 : vector<1024x512xf32>
    %logistic3A_834 = arith.divf %logistic3A_832, %logistic3A_833 : vector<1024x512xf32>
    %mul3A_835 = arith.mulf %dot_general3A_820, %logistic3A_834 : vector<1024x512xf32>
    %get3A_836 = arith.constant 0 : index
    %get3A_837 = arith.constant 9 : index
    %get3A_838 = arith.constant 0 : index
    %get3A_839 = arith.constant 0 : index
    %get3A_840 = vector.load %arg9[%get3A_836, %get3A_837, %get3A_838, %get3A_839] : memref<1x16x512x128xf32, #tpu.memory_space<vmem>>, vector<1x1x512x128xf32>
    %get3A_841 = vector.shape_cast %get3A_840 : vector<1x1x512x128xf32> to vector<512x128xf32>
    %dot_general3A_842 = arith.constant dense<0.000000e+00> : vector<1024x128xf32>
    %dot_general3A_843 = tpu.matmul %mul3A_835, %get3A_841, %dot_general3A_842 {dimension_numbers = #tpu.dot_dimension_numbers<[1], [0], [0], [1], [0, 0, 1, 1], [], []>, transpose_lhs_hint = false} : vector<1024x512xf32>, vector<512x128xf32>, vector<1024x128xf32> -> vector<1024x128xf32>
    %slice3A_844 = vector.extract_strided_slice %div3A_507 {offsets = [0, 9], sizes = [1024, 1], strides = [1, 1]} : vector<1024x16xf32> to vector<1024x1xf32>
    %mul3A_845 = vector.broadcast %slice3A_844 : vector<1024x1xf32> to vector<1024x128xf32>
    %mul3A_846 = arith.mulf %dot_general3A_843, %mul3A_845 : vector<1024x128xf32>
    %get3A_847 = arith.constant 0 : index
    %get3A_848 = arith.constant 10 : index
    %get3A_849 = arith.constant 0 : index
    %get3A_850 = arith.constant 0 : index
    %get3A_851 = vector.load %arg8[%get3A_847, %get3A_848, %get3A_849, %get3A_850] : memref<1x16x128x512xf32, #tpu.memory_space<vmem>>, vector<1x1x128x512xf32>
    %get3A_852 = vector.shape_cast %get3A_851 : vector<1x1x128x512xf32> to vector<128x512xf32>
    %dot_general3A_853 = arith.constant dense<0.000000e+00> : vector<1024x512xf32>
    %dot_general3A_854 = tpu.matmul %add3A_344, %get3A_852, %dot_general3A_853 {dimension_numbers = #tpu.dot_dimension_numbers<[1], [0], [0], [1], [0, 0, 1, 1], [], []>, transpose_lhs_hint = false} : vector<1024x128xf32>, vector<128x512xf32>, vector<1024x512xf32> -> vector<1024x512xf32>
    %mul3A_855 = arith.mulf %dot_general3A_854, %dot_general3A_854 : vector<1024x512xf32>
    %mul3A_856 = arith.constant 0.0713548139 : f32
    %mul3A_857 = vector.broadcast %mul3A_856 : f32 to vector<1024x512xf32>
    %mul3A_858 = arith.mulf %mul3A_857, %mul3A_855 : vector<1024x512xf32>
    %add3A_859 = arith.constant 1.59576917 : f32
    %add3A_860 = vector.broadcast %add3A_859 : f32 to vector<1024x512xf32>
    %add3A_861 = arith.addf %mul3A_858, %add3A_860 : vector<1024x512xf32>
    %mul3A_862 = arith.mulf %dot_general3A_854, %add3A_861 : vector<1024x512xf32>
    %logistic3A_863 = arith.negf %mul3A_862 : vector<1024x512xf32>
    %logistic3A_864 = math.exp %logistic3A_863 : vector<1024x512xf32>
    %logistic3A_865 = arith.constant 1.000000e+00 : f32
    %logistic3A_866 = vector.broadcast %logistic3A_865 : f32 to vector<1024x512xf32>
    %logistic3A_867 = arith.addf %logistic3A_866, %logistic3A_864 : vector<1024x512xf32>
    %logistic3A_868 = arith.divf %logistic3A_866, %logistic3A_867 : vector<1024x512xf32>
    %mul3A_869 = arith.mulf %dot_general3A_854, %logistic3A_868 : vector<1024x512xf32>
    %get3A_870 = arith.constant 0 : index
    %get3A_871 = arith.constant 10 : index
    %get3A_872 = arith.constant 0 : index
    %get3A_873 = arith.constant 0 : index
    %get3A_874 = vector.load %arg9[%get3A_870, %get3A_871, %get3A_872, %get3A_873] : memref<1x16x512x128xf32, #tpu.memory_space<vmem>>, vector<1x1x512x128xf32>
    %get3A_875 = vector.shape_cast %get3A_874 : vector<1x1x512x128xf32> to vector<512x128xf32>
    %dot_general3A_876 = arith.constant dense<0.000000e+00> : vector<1024x128xf32>
    %dot_general3A_877 = tpu.matmul %mul3A_869, %get3A_875, %dot_general3A_876 {dimension_numbers = #tpu.dot_dimension_numbers<[1], [0], [0], [1], [0, 0, 1, 1], [], []>, transpose_lhs_hint = false} : vector<1024x512xf32>, vector<512x128xf32>, vector<1024x128xf32> -> vector<1024x128xf32>
    %slice3A_878 = vector.extract_strided_slice %div3A_507 {offsets = [0, 10], sizes = [1024, 1], strides = [1, 1]} : vector<1024x16xf32> to vector<1024x1xf32>
    %mul3A_879 = vector.broadcast %slice3A_878 : vector<1024x1xf32> to vector<1024x128xf32>
    %mul3A_880 = arith.mulf %dot_general3A_877, %mul3A_879 : vector<1024x128xf32>
    %get3A_881 = arith.constant 0 : index
    %get3A_882 = arith.constant 11 : index
    %get3A_883 = arith.constant 0 : index
    %get3A_884 = arith.constant 0 : index
    %get3A_885 = vector.load %arg8[%get3A_881, %get3A_882, %get3A_883, %get3A_884] : memref<1x16x128x512xf32, #tpu.memory_space<vmem>>, vector<1x1x128x512xf32>
    %get3A_886 = vector.shape_cast %get3A_885 : vector<1x1x128x512xf32> to vector<128x512xf32>
    %dot_general3A_887 = arith.constant dense<0.000000e+00> : vector<1024x512xf32>
    %dot_general3A_888 = tpu.matmul %add3A_344, %get3A_886, %dot_general3A_887 {dimension_numbers = #tpu.dot_dimension_numbers<[1], [0], [0], [1], [0, 0, 1, 1], [], []>, transpose_lhs_hint = false} : vector<1024x128xf32>, vector<128x512xf32>, vector<1024x512xf32> -> vector<1024x512xf32>
    %mul3A_889 = arith.mulf %dot_general3A_888, %dot_general3A_888 : vector<1024x512xf32>
    %mul3A_890 = arith.constant 0.0713548139 : f32
    %mul3A_891 = vector.broadcast %mul3A_890 : f32 to vector<1024x512xf32>
    %mul3A_892 = arith.mulf %mul3A_891, %mul3A_889 : vector<1024x512xf32>
    %add3A_893 = arith.constant 1.59576917 : f32
    %add3A_894 = vector.broadcast %add3A_893 : f32 to vector<1024x512xf32>
    %add3A_895 = arith.addf %mul3A_892, %add3A_894 : vector<1024x512xf32>
    %mul3A_896 = arith.mulf %dot_general3A_888, %add3A_895 : vector<1024x512xf32>
    %logistic3A_897 = arith.negf %mul3A_896 : vector<1024x512xf32>
    %logistic3A_898 = math.exp %logistic3A_897 : vector<1024x512xf32>
    %logistic3A_899 = arith.constant 1.000000e+00 : f32
    %logistic3A_900 = vector.broadcast %logistic3A_899 : f32 to vector<1024x512xf32>
    %logistic3A_901 = arith.addf %logistic3A_900, %logistic3A_898 : vector<1024x512xf32>
    %logistic3A_902 = arith.divf %logistic3A_900, %logistic3A_901 : vector<1024x512xf32>
    %mul3A_903 = arith.mulf %dot_general3A_888, %logistic3A_902 : vector<1024x512xf32>
    %get3A_904 = arith.constant 0 : index
    %get3A_905 = arith.constant 11 : index
    %get3A_906 = arith.constant 0 : index
    %get3A_907 = arith.constant 0 : index
    %get3A_908 = vector.load %arg9[%get3A_904, %get3A_905, %get3A_906, %get3A_907] : memref<1x16x512x128xf32, #tpu.memory_space<vmem>>, vector<1x1x512x128xf32>
    %get3A_909 = vector.shape_cast %get3A_908 : vector<1x1x512x128xf32> to vector<512x128xf32>
    %dot_general3A_910 = arith.constant dense<0.000000e+00> : vector<1024x128xf32>
    %dot_general3A_911 = tpu.matmul %mul3A_903, %get3A_909, %dot_general3A_910 {dimension_numbers = #tpu.dot_dimension_numbers<[1], [0], [0], [1], [0, 0, 1, 1], [], []>, transpose_lhs_hint = false} : vector<1024x512xf32>, vector<512x128xf32>, vector<1024x128xf32> -> vector<1024x128xf32>
    %slice3A_912 = vector.extract_strided_slice %div3A_507 {offsets = [0, 11], sizes = [1024, 1], strides = [1, 1]} : vector<1024x16xf32> to vector<1024x1xf32>
    %mul3A_913 = vector.broadcast %slice3A_912 : vector<1024x1xf32> to vector<1024x128xf32>
    %mul3A_914 = arith.mulf %dot_general3A_911, %mul3A_913 : vector<1024x128xf32>
    %get3A_915 = arith.constant 0 : index
    %get3A_916 = arith.constant 12 : index
    %get3A_917 = arith.constant 0 : index
    %get3A_918 = arith.constant 0 : index
    %get3A_919 = vector.load %arg8[%get3A_915, %get3A_916, %get3A_917, %get3A_918] : memref<1x16x128x512xf32, #tpu.memory_space<vmem>>, vector<1x1x128x512xf32>
    %get3A_920 = vector.shape_cast %get3A_919 : vector<1x1x128x512xf32> to vector<128x512xf32>
    %dot_general3A_921 = arith.constant dense<0.000000e+00> : vector<1024x512xf32>
    %dot_general3A_922 = tpu.matmul %add3A_344, %get3A_920, %dot_general3A_921 {dimension_numbers = #tpu.dot_dimension_numbers<[1], [0], [0], [1], [0, 0, 1, 1], [], []>, transpose_lhs_hint = false} : vector<1024x128xf32>, vector<128x512xf32>, vector<1024x512xf32> -> vector<1024x512xf32>
    %mul3A_923 = arith.mulf %dot_general3A_922, %dot_general3A_922 : vector<1024x512xf32>
    %mul3A_924 = arith.constant 0.0713548139 : f32
    %mul3A_925 = vector.broadcast %mul3A_924 : f32 to vector<1024x512xf32>
    %mul3A_926 = arith.mulf %mul3A_925, %mul3A_923 : vector<1024x512xf32>
    %add3A_927 = arith.constant 1.59576917 : f32
    %add3A_928 = vector.broadcast %add3A_927 : f32 to vector<1024x512xf32>
    %add3A_929 = arith.addf %mul3A_926, %add3A_928 : vector<1024x512xf32>
    %mul3A_930 = arith.mulf %dot_general3A_922, %add3A_929 : vector<1024x512xf32>
    %logistic3A_931 = arith.negf %mul3A_930 : vector<1024x512xf32>
    %logistic3A_932 = math.exp %logistic3A_931 : vector<1024x512xf32>
    %logistic3A_933 = arith.constant 1.000000e+00 : f32
    %logistic3A_934 = vector.broadcast %logistic3A_933 : f32 to vector<1024x512xf32>
    %logistic3A_935 = arith.addf %logistic3A_934, %logistic3A_932 : vector<1024x512xf32>
    %logistic3A_936 = arith.divf %logistic3A_934, %logistic3A_935 : vector<1024x512xf32>
    %mul3A_937 = arith.mulf %dot_general3A_922, %logistic3A_936 : vector<1024x512xf32>
    %get3A_938 = arith.constant 0 : index
    %get3A_939 = arith.constant 12 : index
    %get3A_940 = arith.constant 0 : index
    %get3A_941 = arith.constant 0 : index
    %get3A_942 = vector.load %arg9[%get3A_938, %get3A_939, %get3A_940, %get3A_941] : memref<1x16x512x128xf32, #tpu.memory_space<vmem>>, vector<1x1x512x128xf32>
    %get3A_943 = vector.shape_cast %get3A_942 : vector<1x1x512x128xf32> to vector<512x128xf32>
    %dot_general3A_944 = arith.constant dense<0.000000e+00> : vector<1024x128xf32>
    %dot_general3A_945 = tpu.matmul %mul3A_937, %get3A_943, %dot_general3A_944 {dimension_numbers = #tpu.dot_dimension_numbers<[1], [0], [0], [1], [0, 0, 1, 1], [], []>, transpose_lhs_hint = false} : vector<1024x512xf32>, vector<512x128xf32>, vector<1024x128xf32> -> vector<1024x128xf32>
    %slice3A_946 = vector.extract_strided_slice %div3A_507 {offsets = [0, 12], sizes = [1024, 1], strides = [1, 1]} : vector<1024x16xf32> to vector<1024x1xf32>
    %mul3A_947 = vector.broadcast %slice3A_946 : vector<1024x1xf32> to vector<1024x128xf32>
    %mul3A_948 = arith.mulf %dot_general3A_945, %mul3A_947 : vector<1024x128xf32>
    %get3A_949 = arith.constant 0 : index
    %get3A_950 = arith.constant 13 : index
    %get3A_951 = arith.constant 0 : index
    %get3A_952 = arith.constant 0 : index
    %get3A_953 = vector.load %arg8[%get3A_949, %get3A_950, %get3A_951, %get3A_952] : memref<1x16x128x512xf32, #tpu.memory_space<vmem>>, vector<1x1x128x512xf32>
    %get3A_954 = vector.shape_cast %get3A_953 : vector<1x1x128x512xf32> to vector<128x512xf32>
    %dot_general3A_955 = arith.constant dense<0.000000e+00> : vector<1024x512xf32>
    %dot_general3A_956 = tpu.matmul %add3A_344, %get3A_954, %dot_general3A_955 {dimension_numbers = #tpu.dot_dimension_numbers<[1], [0], [0], [1], [0, 0, 1, 1], [], []>, transpose_lhs_hint = false} : vector<1024x128xf32>, vector<128x512xf32>, vector<1024x512xf32> -> vector<1024x512xf32>
    %mul3A_957 = arith.mulf %dot_general3A_956, %dot_general3A_956 : vector<1024x512xf32>
    %mul3A_958 = arith.constant 0.0713548139 : f32
    %mul3A_959 = vector.broadcast %mul3A_958 : f32 to vector<1024x512xf32>
    %mul3A_960 = arith.mulf %mul3A_959, %mul3A_957 : vector<1024x512xf32>
    %add3A_961 = arith.constant 1.59576917 : f32
    %add3A_962 = vector.broadcast %add3A_961 : f32 to vector<1024x512xf32>
    %add3A_963 = arith.addf %mul3A_960, %add3A_962 : vector<1024x512xf32>
    %mul3A_964 = arith.mulf %dot_general3A_956, %add3A_963 : vector<1024x512xf32>
    %logistic3A_965 = arith.negf %mul3A_964 : vector<1024x512xf32>
    %logistic3A_966 = math.exp %logistic3A_965 : vector<1024x512xf32>
    %logistic3A_967 = arith.constant 1.000000e+00 : f32
    %logistic3A_968 = vector.broadcast %logistic3A_967 : f32 to vector<1024x512xf32>
    %logistic3A_969 = arith.addf %logistic3A_968, %logistic3A_966 : vector<1024x512xf32>
    %logistic3A_970 = arith.divf %logistic3A_968, %logistic3A_969 : vector<1024x512xf32>
    %mul3A_971 = arith.mulf %dot_general3A_956, %logistic3A_970 : vector<1024x512xf32>
    %get3A_972 = arith.constant 0 : index
    %get3A_973 = arith.constant 13 : index
    %get3A_974 = arith.constant 0 : index
    %get3A_975 = arith.constant 0 : index
    %get3A_976 = vector.load %arg9[%get3A_972, %get3A_973, %get3A_974, %get3A_975] : memref<1x16x512x128xf32, #tpu.memory_space<vmem>>, vector<1x1x512x128xf32>
    %get3A_977 = vector.shape_cast %get3A_976 : vector<1x1x512x128xf32> to vector<512x128xf32>
    %dot_general3A_978 = arith.constant dense<0.000000e+00> : vector<1024x128xf32>
    %dot_general3A_979 = tpu.matmul %mul3A_971, %get3A_977, %dot_general3A_978 {dimension_numbers = #tpu.dot_dimension_numbers<[1], [0], [0], [1], [0, 0, 1, 1], [], []>, transpose_lhs_hint = false} : vector<1024x512xf32>, vector<512x128xf32>, vector<1024x128xf32> -> vector<1024x128xf32>
    %slice3A_980 = vector.extract_strided_slice %div3A_507 {offsets = [0, 13], sizes = [1024, 1], strides = [1, 1]} : vector<1024x16xf32> to vector<1024x1xf32>
    %mul3A_981 = vector.broadcast %slice3A_980 : vector<1024x1xf32> to vector<1024x128xf32>
    %mul3A_982 = arith.mulf %dot_general3A_979, %mul3A_981 : vector<1024x128xf32>
    %get3A_983 = arith.constant 0 : index
    %get3A_984 = arith.constant 14 : index
    %get3A_985 = arith.constant 0 : index
    %get3A_986 = arith.constant 0 : index
    %get3A_987 = vector.load %arg8[%get3A_983, %get3A_984, %get3A_985, %get3A_986] : memref<1x16x128x512xf32, #tpu.memory_space<vmem>>, vector<1x1x128x512xf32>
    %get3A_988 = vector.shape_cast %get3A_987 : vector<1x1x128x512xf32> to vector<128x512xf32>
    %dot_general3A_989 = arith.constant dense<0.000000e+00> : vector<1024x512xf32>
    %dot_general3A_990 = tpu.matmul %add3A_344, %get3A_988, %dot_general3A_989 {dimension_numbers = #tpu.dot_dimension_numbers<[1], [0], [0], [1], [0, 0, 1, 1], [], []>, transpose_lhs_hint = false} : vector<1024x128xf32>, vector<128x512xf32>, vector<1024x512xf32> -> vector<1024x512xf32>
    %mul3A_991 = arith.mulf %dot_general3A_990, %dot_general3A_990 : vector<1024x512xf32>
    %mul3A_992 = arith.constant 0.0713548139 : f32
    %mul3A_993 = vector.broadcast %mul3A_992 : f32 to vector<1024x512xf32>
    %mul3A_994 = arith.mulf %mul3A_993, %mul3A_991 : vector<1024x512xf32>
    %add3A_995 = arith.constant 1.59576917 : f32
    %add3A_996 = vector.broadcast %add3A_995 : f32 to vector<1024x512xf32>
    %add3A_997 = arith.addf %mul3A_994, %add3A_996 : vector<1024x512xf32>
    %mul3A_998 = arith.mulf %dot_general3A_990, %add3A_997 : vector<1024x512xf32>
    %logistic3A_999 = arith.negf %mul3A_998 : vector<1024x512xf32>
    %logistic3A_1000 = math.exp %logistic3A_999 : vector<1024x512xf32>
    %logistic3A_1001 = arith.constant 1.000000e+00 : f32
    %logistic3A_1002 = vector.broadcast %logistic3A_1001 : f32 to vector<1024x512xf32>
    %logistic3A_1003 = arith.addf %logistic3A_1002, %logistic3A_1000 : vector<1024x512xf32>
    %logistic3A_1004 = arith.divf %logistic3A_1002, %logistic3A_1003 : vector<1024x512xf32>
    %mul3A_1005 = arith.mulf %dot_general3A_990, %logistic3A_1004 : vector<1024x512xf32>
    %get3A_1006 = arith.constant 0 : index
    %get3A_1007 = arith.constant 14 : index
    %get3A_1008 = arith.constant 0 : index
    %get3A_1009 = arith.constant 0 : index
    %get3A_1010 = vector.load %arg9[%get3A_1006, %get3A_1007, %get3A_1008, %get3A_1009] : memref<1x16x512x128xf32, #tpu.memory_space<vmem>>, vector<1x1x512x128xf32>
    %get3A_1011 = vector.shape_cast %get3A_1010 : vector<1x1x512x128xf32> to vector<512x128xf32>
    %dot_general3A_1012 = arith.constant dense<0.000000e+00> : vector<1024x128xf32>
    %dot_general3A_1013 = tpu.matmul %mul3A_1005, %get3A_1011, %dot_general3A_1012 {dimension_numbers = #tpu.dot_dimension_numbers<[1], [0], [0], [1], [0, 0, 1, 1], [], []>, transpose_lhs_hint = false} : vector<1024x512xf32>, vector<512x128xf32>, vector<1024x128xf32> -> vector<1024x128xf32>
    %slice3A_1014 = vector.extract_strided_slice %div3A_507 {offsets = [0, 14], sizes = [1024, 1], strides = [1, 1]} : vector<1024x16xf32> to vector<1024x1xf32>
    %mul3A_1015 = vector.broadcast %slice3A_1014 : vector<1024x1xf32> to vector<1024x128xf32>
    %mul3A_1016 = arith.mulf %dot_general3A_1013, %mul3A_1015 : vector<1024x128xf32>
    %get3A_1017 = arith.constant 0 : index
    %get3A_1018 = arith.constant 15 : index
    %get3A_1019 = arith.constant 0 : index
    %get3A_1020 = arith.constant 0 : index
    %get3A_1021 = vector.load %arg8[%get3A_1017, %get3A_1018, %get3A_1019, %get3A_1020] : memref<1x16x128x512xf32, #tpu.memory_space<vmem>>, vector<1x1x128x512xf32>
    %get3A_1022 = vector.shape_cast %get3A_1021 : vector<1x1x128x512xf32> to vector<128x512xf32>
    %dot_general3A_1023 = arith.constant dense<0.000000e+00> : vector<1024x512xf32>
    %dot_general3A_1024 = tpu.matmul %add3A_344, %get3A_1022, %dot_general3A_1023 {dimension_numbers = #tpu.dot_dimension_numbers<[1], [0], [0], [1], [0, 0, 1, 1], [], []>, transpose_lhs_hint = false} : vector<1024x128xf32>, vector<128x512xf32>, vector<1024x512xf32> -> vector<1024x512xf32>
    %mul3A_1025 = arith.mulf %dot_general3A_1024, %dot_general3A_1024 : vector<1024x512xf32>
    %mul3A_1026 = arith.constant 0.0713548139 : f32
    %mul3A_1027 = vector.broadcast %mul3A_1026 : f32 to vector<1024x512xf32>
    %mul3A_1028 = arith.mulf %mul3A_1027, %mul3A_1025 : vector<1024x512xf32>
    %add3A_1029 = arith.constant 1.59576917 : f32
    %add3A_1030 = vector.broadcast %add3A_1029 : f32 to vector<1024x512xf32>
    %add3A_1031 = arith.addf %mul3A_1028, %add3A_1030 : vector<1024x512xf32>
    %mul3A_1032 = arith.mulf %dot_general3A_1024, %add3A_1031 : vector<1024x512xf32>
    %logistic3A_1033 = arith.negf %mul3A_1032 : vector<1024x512xf32>
    %logistic3A_1034 = math.exp %logistic3A_1033 : vector<1024x512xf32>
    %logistic3A_1035 = arith.constant 1.000000e+00 : f32
    %logistic3A_1036 = vector.broadcast %logistic3A_1035 : f32 to vector<1024x512xf32>
    %logistic3A_1037 = arith.addf %logistic3A_1036, %logistic3A_1034 : vector<1024x512xf32>
    %logistic3A_1038 = arith.divf %logistic3A_1036, %logistic3A_1037 : vector<1024x512xf32>
    %mul3A_1039 = arith.mulf %dot_general3A_1024, %logistic3A_1038 : vector<1024x512xf32>
    %get3A_1040 = arith.constant 0 : index
    %get3A_1041 = arith.constant 15 : index
    %get3A_1042 = arith.constant 0 : index
    %get3A_1043 = arith.constant 0 : index
    %get3A_1044 = vector.load %arg9[%get3A_1040, %get3A_1041, %get3A_1042, %get3A_1043] : memref<1x16x512x128xf32, #tpu.memory_space<vmem>>, vector<1x1x512x128xf32>
    %get3A_1045 = vector.shape_cast %get3A_1044 : vector<1x1x512x128xf32> to vector<512x128xf32>
    %dot_general3A_1046 = arith.constant dense<0.000000e+00> : vector<1024x128xf32>
    %dot_general3A_1047 = tpu.matmul %mul3A_1039, %get3A_1045, %dot_general3A_1046 {dimension_numbers = #tpu.dot_dimension_numbers<[1], [0], [0], [1], [0, 0, 1, 1], [], []>, transpose_lhs_hint = false} : vector<1024x512xf32>, vector<512x128xf32>, vector<1024x128xf32> -> vector<1024x128xf32>
    %slice3A_1048 = vector.extract_strided_slice %div3A_507 {offsets = [0, 15], sizes = [1024, 1], strides = [1, 1]} : vector<1024x16xf32> to vector<1024x1xf32>
    %mul3A_1049 = vector.broadcast %slice3A_1048 : vector<1024x1xf32> to vector<1024x128xf32>
    %mul3A_1050 = arith.mulf %dot_general3A_1047, %mul3A_1049 : vector<1024x128xf32>
    %add3A_1051 = arith.addf %add3A_291, %mul3A_540 : vector<1024x128xf32>
    %add3A_1052 = arith.addf %mul3A_574, %mul3A_608 : vector<1024x128xf32>
    %add3A_1053 = arith.addf %mul3A_642, %mul3A_676 : vector<1024x128xf32>
    %add3A_1054 = arith.addf %mul3A_710, %mul3A_744 : vector<1024x128xf32>
    %add3A_1055 = arith.addf %mul3A_778, %mul3A_812 : vector<1024x128xf32>
    %add3A_1056 = arith.addf %mul3A_846, %mul3A_880 : vector<1024x128xf32>
    %add3A_1057 = arith.addf %mul3A_914, %mul3A_948 : vector<1024x128xf32>
    %add3A_1058 = arith.addf %mul3A_982, %mul3A_1016 : vector<1024x128xf32>
    %add3A_1059 = arith.addf %add3A_1051, %add3A_1052 : vector<1024x128xf32>
    %add3A_1060 = arith.addf %add3A_1053, %add3A_1054 : vector<1024x128xf32>
    %add3A_1061 = arith.addf %add3A_1055, %add3A_1056 : vector<1024x128xf32>
    %add3A_1062 = arith.addf %add3A_1057, %add3A_1058 : vector<1024x128xf32>
    %add3A_1063 = arith.addf %add3A_1059, %add3A_1060 : vector<1024x128xf32>
    %add3A_1064 = arith.addf %add3A_1061, %add3A_1062 : vector<1024x128xf32>
    %add3A_1065 = arith.addf %add3A_1063, %add3A_1064 : vector<1024x128xf32>
    %add3A_1066 = arith.addf %add3A_1065, %mul3A_1050 : vector<1024x128xf32>
    %swap3A_1067 = arith.constant 0 : index
    %swap3A_1068 = arith.constant 0 : index
    %swap3A_1069 = vector.load %arg19[%swap3A_1067, %swap3A_1068] : memref<1024x128xf32, #tpu.memory_space<vmem>>, vector<1024x128xf32>
    tpu.vector_store %arg19[%swap3A_1067, %swap3A_1068], %add3A_1066 {strides = array<i32>} : memref<1024x128xf32, #tpu.memory_space<vmem>>, vector<1024x128xf32>,
    %eq3A_1070 = arith.constant 3 : i32
    %eq3A_1071 = arith.cmpi eq, %arg0, %eq3A_1070 : i32
    %convert_element_type3A_1072 = arith.extui %eq3A_1071 : i1 to i32
    %cond3A_1073 = arith.constant 0 : i32
    %cond3A_1074 = arith.cmpi ne, %convert_element_type3A_1072, %cond3A_1073 : i32
    scf.if %cond3A_1074 {
      %get3A_1075 = arith.constant 0 : index
      %get3A_1076 = arith.constant 0 : index
      %get3A_1077 = vector.load %arg16[%get3A_1075, %get3A_1076] : memref<1x128xf32, #tpu.memory_space<vmem>>, vector<1x128xf32>
      %get3A_1078 = arith.constant 0 : index
      %get3A_1079 = arith.constant 0 : index
      %get3A_1080 = vector.load %arg17[%get3A_1078, %get3A_1079] : memref<1x128xf32, #tpu.memory_space<vmem>>, vector<1x128xf32>
      %reduce_sum3A_1081 = arith.constant dense<0.000000e+00> : vector<1024xf32>
      %reduce_sum3A_1082 = vector.multi_reduction <add>, %add3A_1066, %reduce_sum3A_1081 [1] : vector<1024x128xf32> to vector<1024xf32>
      %broadcast_in_dim3A_1083 = vector.shape_cast %reduce_sum3A_1082 : vector<1024xf32> to vector<1024x1xf32>
      %div3A_1084 = arith.constant 1.280000e+02 : f32
      %div3A_1085 = vector.broadcast %div3A_1084 : f32 to vector<1024x1xf32>
      %div3A_1086 = arith.divf %broadcast_in_dim3A_1083, %div3A_1085 : vector<1024x1xf32>
      %jit3A_1087 = arith.constant 0 : i32
      %reduce_sum3A_1088 = arith.constant dense<0.000000e+00> : vector<1024xf32>
      %reduce_sum3A_1089 = vector.multi_reduction <add>, %add3A_1066, %reduce_sum3A_1088 [1] : vector<1024x128xf32> to vector<1024xf32>
      %broadcast_in_dim3A_1090 = vector.shape_cast %reduce_sum3A_1089 : vector<1024xf32> to vector<1024x1xf32>
      %div3A_1091 = arith.constant 1.280000e+02 : f32
      %div3A_1092 = vector.broadcast %div3A_1091 : f32 to vector<1024x1xf32>
      %div3A_1093 = arith.divf %broadcast_in_dim3A_1090, %div3A_1092 : vector<1024x1xf32>
      %sub3A_1094 = vector.broadcast %div3A_1093 : vector<1024x1xf32> to vector<1024x128xf32>
      %sub3A_1095 = arith.subf %add3A_1066, %sub3A_1094 : vector<1024x128xf32>
      %square3A_1096 = arith.mulf %sub3A_1095, %sub3A_1095 : vector<1024x128xf32>
      %convert_element_type3A_1097 = arith.sitofp %jit3A_1087 : i32 to f32
      %sub3A_1098 = arith.constant 1.280000e+02 : f32
      %sub3A_1099 = arith.subf %sub3A_1098, %convert_element_type3A_1097 : f32
      %reduce_sum3A_1100 = arith.constant dense<0.000000e+00> : vector<1024xf32>
      %reduce_sum3A_1101 = vector.multi_reduction <add>, %square3A_1096, %reduce_sum3A_1100 [1] : vector<1024x128xf32> to vector<1024xf32>
      %broadcast_in_dim3A_1102 = vector.shape_cast %reduce_sum3A_1101 : vector<1024xf32> to vector<1024x1xf32>
      %div3A_1103 = vector.broadcast %sub3A_1099 : f32 to vector<1024x1xf32>
      %div3A_1104 = arith.divf %broadcast_in_dim3A_1102, %div3A_1103 : vector<1024x1xf32>
      %gt3A_1105 = arith.constant 0.000000e+00 : f32
      %gt3A_1106 = arith.cmpf ogt, %sub3A_1099, %gt3A_1105 : f32
      %jit3A_1107 = arith.constant 0x7FC00000 : f32
      %broadcast_in_dim3A_1108 = vector.broadcast %jit3A_1107 : f32 to vector<1024x1xf32>
      %select_n3A_1109 = arith.select %gt3A_1106, %div3A_1104, %broadcast_in_dim3A_1108 : vector<1024x1xf32>
      %sub3A_1110 = vector.broadcast %div3A_1086 : vector<1024x1xf32> to vector<1024x128xf32>
      %sub3A_1111 = arith.subf %add3A_1066, %sub3A_1110 : vector<1024x128xf32>
      %add3A_1112 = arith.constant 9.99999974E-6 : f32
      %add3A_1113 = vector.broadcast %add3A_1112 : f32 to vector<1024x1xf32>
      %add3A_1114 = arith.addf %select_n3A_1109, %add3A_1113 : vector<1024x1xf32>
      %sqrt3A_1115 = math.sqrt %add3A_1114 : vector<1024x1xf32>
      %div3A_1116 = vector.broadcast %sqrt3A_1115 : vector<1024x1xf32> to vector<1024x128xf32>
      %div3A_1117 = arith.divf %sub3A_1111, %div3A_1116 : vector<1024x128xf32>
      %mul3A_1118 = vector.broadcast %get3A_1077 : vector<1x128xf32> to vector<1024x128xf32>
      %mul3A_1119 = arith.mulf %div3A_1117, %mul3A_1118 : vector<1024x128xf32>
      %add3A_1120 = vector.broadcast %get3A_1080 : vector<1x128xf32> to vector<1024x128xf32>
      %add3A_1121 = arith.addf %mul3A_1119, %add3A_1120 : vector<1024x128xf32>
      %swap3A_1122 = arith.constant 0 : index
      %swap3A_1123 = arith.constant 0 : index
      %swap3A_1124 = vector.load %arg18[%swap3A_1122, %swap3A_1123] : memref<1024x128xf32, #tpu.memory_space<vmem>>, vector<1024x128xf32>
      tpu.vector_store %arg18[%swap3A_1122, %swap3A_1123], %add3A_1121 {strides = array<i32>} : memref<1024x128xf32, #tpu.memory_space<vmem>>, vector<1024x128xf32>,
    } else {
    }
    return
  }
  func.func @transform_0(%arg0: i32) -> (i32, i32) {
    %c0_i32 = arith.constant 0 : i32
    %c0_i32_0 = arith.constant 0 : i32
    %c0_i32_1 = arith.constant 0 : i32
    return %c0_i32, %c0_i32_0 : i32, i32
  }
  func.func @transform_1(%arg0: i32) -> (i32, i32) {
    %c0_i32 = arith.constant 0 : i32
    %c0_i32_0 = arith.constant 0 : i32
    %c0_i32_1 = arith.constant 0 : i32
    return %c0_i32, %c0_i32_0 : i32, i32
  }
  func.func @transform_2(%arg0: i32) -> (i32, i32) {
    %c0_i32 = arith.constant 0 : i32
    %c0_i32_0 = arith.constant 0 : i32
    %c0_i32_1 = arith.constant 0 : i32
    return %c0_i32, %c0_i32_0 : i32, i32
  }
  func.func @transform_3(%arg0: i32) -> (i32, i32) {
    %c0_i32 = arith.constant 0 : i32
    %c0_i32_0 = arith.constant 0 : i32
    %c0_i32_1 = arith.constant 0 : i32
    return %c0_i32, %c0_i32_0 : i32, i32
  }
  func.func @transform_4(%arg0: i32) -> (i32, i32, i32) {
    %c0_i32 = arith.constant 0 : i32
    %c0_i32_0 = arith.constant 0 : i32
    %c0_i32_1 = arith.constant 0 : i32
    return %arg0, %c0_i32, %c0_i32_0 : i32, i32, i32
  }
  func.func @transform_5(%arg0: i32) -> (i32, i32, i32) {
    %c0_i32 = arith.constant 0 : i32
    %c0_i32_0 = arith.constant 0 : i32
    %c0_i32_1 = arith.constant 0 : i32
    return %arg0, %c0_i32, %c0_i32_0 : i32, i32, i32
  }
  func.func @transform_6(%arg0: i32) -> (i32, i32, i32) {
    %c0_i32 = arith.constant 0 : i32
    %c0_i32_0 = arith.constant 0 : i32
    %c0_i32_1 = arith.constant 0 : i32
    return %arg0, %c0_i32, %c0_i32_0 : i32, i32, i32
  }
  func.func @transform_7(%arg0: i32) -> (i32, i32, i32, i32) {
    %c0_i32 = arith.constant 0 : i32
    %c0_i32_0 = arith.constant 0 : i32
    %c0_i32_1 = arith.constant 0 : i32
    %c0_i32_2 = arith.constant 0 : i32
    return %arg0, %c0_i32, %c0_i32_0, %c0_i32_1 : i32, i32, i32, i32
  }
  func.func @transform_8(%arg0: i32) -> (i32, i32, i32, i32) {
    %c0_i32 = arith.constant 0 : i32
    %c0_i32_0 = arith.constant 0 : i32
    %c0_i32_1 = arith.constant 0 : i32
    %c0_i32_2 = arith.constant 0 : i32
    return %arg0, %c0_i32, %c0_i32_0, %c0_i32_1 : i32, i32, i32, i32
  }
  func.func @transform_9(%arg0: i32) -> (i32, i32) {
    %c0_i32 = arith.constant 0 : i32
    %c0_i32_0 = arith.constant 0 : i32
    %c0_i32_1 = arith.constant 0 : i32
    return %c0_i32, %c0_i32_0 : i32, i32
  }
  func.func @transform_10(%arg0: i32) -> (i32, i32) {
    %c0_i32 = arith.constant 0 : i32
    %c0_i32_0 = arith.constant 0 : i32
    %c0_i32_1 = arith.constant 0 : i32
    return %c0_i32, %c0_i32_0 : i32, i32
  }
  func.func @transform_11(%arg0: i32) -> (i32, i32, i32) {
    %c0_i32 = arith.constant 0 : i32
    %c0_i32_0 = arith.constant 0 : i32
    %c0_i32_1 = arith.constant 0 : i32
    return %arg0, %c0_i32, %c0_i32_0 : i32, i32, i32
  }
  func.func @transform_12(%arg0: i32) -> (i32, i32, i32) {
    %c0_i32 = arith.constant 0 : i32
    %c0_i32_0 = arith.constant 0 : i32
    %c0_i32_1 = arith.constant 0 : i32
    return %arg0, %c0_i32, %c0_i32_0 : i32, i32, i32
  }
  func.func @transform_13(%arg0: i32) -> (i32, i32, i32) {
    %c0_i32 = arith.constant 0 : i32
    %c0_i32_0 = arith.constant 0 : i32
    %c0_i32_1 = arith.constant 0 : i32
    return %arg0, %c0_i32, %c0_i32_0 : i32, i32, i32
  }
  func.func @transform_14(%arg0: i32) -> (i32, i32, i32) {
    %c0_i32 = arith.constant 0 : i32
    %c0_i32_0 = arith.constant 0 : i32
    %c0_i32_1 = arith.constant 0 : i32
    return %arg0, %c0_i32, %c0_i32_0 : i32, i32, i32
  }
  func.func @transform_15(%arg0: i32) -> (i32, i32) {
    %c0_i32 = arith.constant 0 : i32
    %c0_i32_0 = arith.constant 0 : i32
    %c0_i32_1 = arith.constant 0 : i32
    return %c0_i32, %c0_i32_0 : i32, i32
  }
  func.func @transform_16(%arg0: i32) -> (i32, i32) {
    %c0_i32 = arith.constant 0 : i32
    %c0_i32_0 = arith.constant 0 : i32
    %c0_i32_1 = arith.constant 0 : i32
    return %c0_i32, %c0_i32_0 : i32, i32
  }
  func.func @transform_17(%arg0: i32) -> (i32, i32) {
    %c0_i32 = arith.constant 0 : i32
    %c0_i32_0 = arith.constant 0 : i32
    %c0_i32_1 = arith.constant 0 : i32
    return %c0_i32, %c0_i32_0 : i32, i32
  }
}

</mosaic_0001>

<sc_bundles>
// kernel: kernel.4.cloned.1.call-start
scs
__scs_entry_jumppad:
0x0: {  	(pc) =	sbr.rel $0x88, $3  }
0x1: {  	(tag) =	ssettag $0x0;
	lr =	simm.s32 $0x1  }
0x2: {  	[smem:$0x3F97] =	sst lr;
	_ =	strace $0xD0000000  }
0x3: {  	_ = 	snop  }
0x4: {  	_ = 	snop  }
0x5: {  	_ = 	snop  }
0x6: {  	_ = 	snop  }
0x7: {  	_ = 	snop  }
__scs_overlays_trampoline_lowered:
0x8: {  	[smem:$0x3FA6] =	sst s0  }
0x9: {  	[smem:$0x3FA7] =	sst s1  }
0xa: {  	[smem:$0x3FA8] =	sst s2  }
0xb: {  	[smem:$0x3FA9] =	sst s3  }
0xc: {  	[smem:$0x3FAA] =	sst s4  }
0xd: {  	[smem:$0x3FAB] =	sst s5  }
0xe: {  	[smem:$0x3FAC] =	sst s6  }
0xf: {  	[smem:$0x3FAD] =	sst s7  }
0x10: {  	[smem:$0x3FAE] =	sst s8  }
0x11: {  	[smem:$0x3FAF] =	sst s9;
	s0 =	simm.s32 @!p0 $0x0  }
0x12: {  	s1 =	sld [smem:$0x3F95];
	s0 =	simm.s32 @p0 $0x1  }
0x13: {  	[smem:$0x3FB0] =	sst s0;
	s0 =	simm.s32 @!p1 $0x0  }
0x14: {  	s2 =	sld [smem:$0x3F94];
	s0 =	simm.s32 @p1 $0x1  }
0x15: {  	[smem:$0x3FB1] =	sst s0;
	s0 =	simm.s32 @!p2 $0x0  }
0x16: {  	s3 =	sld [smem:$0x3FDB];
	s0 =	simm.s32 @p2 $0x1  }
0x17: {  	s4 =	simm.s32 $0x1BF5;
	[smem:$0x3FB3] =	sst s0  }
0x18: {  	s0 =	sld [smem:$0x3F96];
	_ =	swait.ge [sflag:s4], $0x0  }
0x19: {  	s7 =	sld [smem:$0x3F97]  }
0x1a: {  	s8 =	sadd.s32 $0xFFFFE003, lr  }
0x1b: {  	s9 =	sadd.s32 $0xFFFFFEF7, lr;
	s5 =	simm.s32 $0xFFFFFFFF;
	p2 =	slt.u32 s8, $0xFFFFF086  }
0x1c: {  	p1 =	slt.u32 s9, $0xF7A;
	s5 =	simm.s32 @!p2 $0x0  }
0x1d: {  	s5 =	simm.s32 @p1 $0x1;
	p0 =	seq.s32 s7, s2  }
0x1e: {  	s7 =	smul.u32 @!p0 $0xF7A, s2;
	p2 =	seq.s32 @!p0 s5, $0x0  }
0x1f: {  	s9 =	smul.u32 $0xF7A, s1;
	s8 =	simm.s32 @!p0 $0x1BF5;
	p2 =	por !p2, p0  }
0x20: {  	[sflag:s8] =	ssyncset.s32 @!p0 $0xFFFFF086;
	s6 =	sadd.s32 @!p0 s3, s7;
	s7 =	simm.s32 @!p0 $0x108  }
0x21: {  	s3 =	sadd.s32 s3, s9;
	s6 =	sadd.s32 @!p0 $0x88, s6;
	s7 =	simm.s32 @p2 $0x1082  }
0x22: {  	[simem:s7], [sflag:s8] =	dma.local @!p0 [hbm:s6], $0xF7A  }
0x23: {  	s9 =	sor.u32 $0xD0000000, s2;
	s6 =	simm.s32 $0x108;
	_ =	swait.ge @!p0 [sflag:s8], $0x0  }
0x24: {  	s3 =	sadd.s32 $0x88, s3;
	s6 =	simm.s32 @!p1 $0x1082;
	[sflag:s4] =	ssyncset.s32 $0xFFFFF086  }
0x25: {  	[simem:s6], [sflag:s4] =	dma.local [hbm:s3], $0xF7A  }
0x26: {  	[smem:$0x3F97] =	sst s1;
	(tag) =	ssettag s2;
	_ =	strace s9  }
0x27: {  	s1 =	sld [smem:$0x3FA7]  }
0x28: {  	s2 =	sld [smem:$0x3FA8]  }
0x29: {  	s4 =	sld [smem:$0x3FAA]  }
0x2a: {  	p0 =	seq.s32 s5, $0x0;
	s5 =	sld [smem:$0x3FAB]  }
0x2b: {  	s6 =	sld [smem:$0x3FAC]  }
0x2c: {  	s7 =	sld [smem:$0x3FAD]  }
0x2d: {  	s3 =	simm.s32 $0x108;
	s8 =	sld [smem:$0x3FAE]  }
0x2e: {  	s3 =	simm.s32 @!p0 $0x1082;
	s9 =	sld [smem:$0x3FAF]  }
0x2f: {  	lr =	sadd.s32 s0, s3;
	s0 =	sld [smem:$0x3FA6]  }
0x30: {  	s3 =	sld [smem:$0x3FA9]  }
0x31: {  	[smem:$0x3FB2] =	sst s10  }
0x32: {  	s10 =	sld [smem:$0x3FB0];
	_ =	sdelay $0x3  }
0x33: {  	p0 =	seq.s32 s10, $0x1;
	s10 =	sld [smem:$0x3FB2];
	_ =	sdelay $0x3  }
0x34: {  	[smem:$0x3FB2] =	sst s10  }
0x35: {  	s10 =	sld [smem:$0x3FB1];
	_ =	sdelay $0x3  }
0x36: {  	p1 =	seq.s32 s10, $0x1;
	s10 =	sld [smem:$0x3FB2];
	_ =	sdelay $0x3  }
0x37: {  	[smem:$0x3FB2] =	sst s10  }
0x38: {  	s10 =	sld [smem:$0x3FB3]  }
0x39: {  	_ = 	snop;
	(pc) =	sbr.ind lr, $3  }
0x3a: {  	_ = 	snop  }
0x3b: {  	_ = 	snop  }
0x3c: {  	p2 =	seq.s32 s10, $0x1;
	s10 =	sld [smem:$0x3FB2]  }
0x3d: {  	_ =	shalt  }
0x3e: {  	_ =	shalt  }
0x3f: {  	_ =	shalt  }
0x40: {  	_ =	shalt  }
0x41: {  	_ =	shalt  }
0x42: {  	_ =	shalt  }
0x43: {  	_ =	shalt  }
0x44: {  	_ =	shalt  }
0x45: {  	_ =	shalt  }
0x46: {  	_ =	shalt  }
0x47: {  	_ =	shalt  }
0x48: {  	_ =	shalt  }
0x49: {  	_ =	shalt  }
0x4a: {  	_ =	shalt  }
0x4b: {  	_ =	shalt  }
0x4c: {  	_ =	shalt  }
0x4d: {  	_ =	shalt  }
0x4e: {  	_ =	shalt  }
0x4f: {  	_ =	shalt  }
0x50: {  	_ =	shalt  }
0x51: {  	_ =	shalt  }
0x52: {  	_ =	shalt  }
0x53: {  	_ =	shalt  }
0x54: {  	_ =	shalt  }
0x55: {  	_ =	shalt  }
0x56: {  	_ =	shalt  }
0x57: {  	_ =	shalt  }
0x58: {  	_ =	shalt  }
0x59: {  	_ =	shalt  }
0x5a: {  	_ =	shalt  }
0x5b: {  	_ =	shalt  }
0x5c: {  	_ =	shalt  }
0x5d: {  	_ =	shalt  }
0x5e: {  	_ =	shalt  }
0x5f: {  	_ =	shalt  }
0x60: {  	_ =	shalt  }
0x61: {  	_ =	shalt  }
0x62: {  	_ =	shalt  }
0x63: {  	_ =	shalt  }
0x64: {  	_ =	shalt  }
0x65: {  	_ =	shalt  }
0x66: {  	_ =	shalt  }
0x67: {  	_ =	shalt  }
0x68: {  	_ =	shalt  }
0x69: {  	_ =	shalt  }
0x6a: {  	_ =	shalt  }
0x6b: {  	_ =	shalt  }
0x6c: {  	_ =	shalt  }
0x6d: {  	_ =	shalt  }
0x6e: {  	_ =	shalt  }
0x6f: {  	_ =	shalt  }
0x70: {  	_ =	shalt  }
0x71: {  	_ =	shalt  }
0x72: {  	_ =	shalt  }
0x73: {  	_ =	shalt  }
0x74: {  	_ =	shalt  }
0x75: {  	_ =	shalt  }
0x76: {  	_ =	shalt  }
0x77: {  	_ =	shalt  }
0x78: {  	_ =	shalt  }
0x79: {  	_ =	shalt  }
0x7a: {  	_ =	shalt  }
0x7b: {  	_ =	shalt  }
0x7c: {  	_ =	shalt  }
0x7d: {  	_ =	shalt  }
0x7e: {  	_ =	shalt  }
0x7f: {  	_ =	shalt  }
0x80: {  	_ =	shalt  }
0x81: {  	_ =	shalt  }
0x82: {  	_ =	shalt  }
0x83: {  	_ =	shalt  }
0x84: {  	_ =	shalt  }
0x85: {  	_ =	shalt  }
0x86: {  	_ =	shalt  }
0x87: {  	_ =	shalt  }
.Lfunc_end0:
.L_simem_size_0:
called_computation_lowered:
.L_overlay_start_0:
0x88: {  	s2 =	sld [smem:$0x3FD9]  }
0x89: {  	s3 =	sld [smem:$0x3FFE];
	_ =	sdelay $0x1  }
0x8a: {  	s1 =	srdreg.scid  }
0x8b: {  	s0 =	sand.u32 $0x1, s1  }
0x8c: {  	s18 =	sshll.u32 s0, $0xA;
	s2 =	sadd.s32 s3, s2  }
0x8d: {  	s2 =	sadd.s32 s2, s18  }
0x8e: {  	[smem:$0x3FBE] =	sst s2  }
0x8f: {  	_ = 	snop  }
0x90: {  	s2 =	sld [smem:$0x3FC9]  }
0x91: {  	s19 =	sld [smem:$0x3FC8]  }
0x92: {  	s4 =	sld [smem:$0x3FD0];
	(tm) =	ssettm $0x1  }
0x93: {  	s5 =	sld [smem:$0x3FFB];
	_ =	sdelay $0x3  }
0x94: {  	_ =	strace s5  }
0x95: {  	s5 =	sld [smem:$0x3FFC];
	_ =	sdelay $0x3  }
0x96: {  	_ =	strace s5  }
0x97: {  	s5 =	sld [smem:$0x3FFD];
	_ =	sdelay $0x3  }
0x98: {  	_ =	strace s5  }
0x99: {  	_ =	strace $0x8FFFFFFF  }
0x9a: {  	s20 =	sld [smem:$0x3FDB];
	_ =	sdelay $0x1  }
0x9b: {  	s6 =	simm.s32 $_scs_section_size  }
0x9c: {  	s7 =	simm.s32 $_size__tile_overlayer_lowered;
	s8 =	simm.s32 $_tile_overlayer_lowered  }
0x9d: {  	s23 =	simm.s32 $0x1BFF;
	s22 =	sshll.u32 s8, $0x1;
	s5 =	sadd.s32 s6, s20  }
0x9e: {  	s9 =	simm.s32 $0x0;
	s21 =	sshll.u32 s7, $0x1;
	s7 =	sadd.s32 s22, s5  }
0x9f: {  	[timem:s9], [sflag:s23] =	dma.local [hbm:s7], s21  }
0xa0: {  	_ =	swait.ge [sflag:s23], s21  }
0xa1: {  	s6 =	ssub.s32 $0x0, s21;
	[sflag:s23] =	ssyncset.done $0x0  }
0xa2: {  	[sflag:s23] =	ssyncadd.s32 s6;
	_ =	sdelay $0x1  }
0xa3: {  	s24 =	simm.s32 $0x1B8B  }
0xa4: {  	_ =	swait.ge [sflag:s24], $0x1  }
0xa5: {  	[sflag:s24] =	ssyncset.done $0x0  }
0xa6: {  	s25 =	simm.s32 $0x1B8E;
	[sflag:s24] =	ssyncadd.s32 $0xFFFFFFFF  }
0xa7: {  	s26 =	simm.s32 $execute0_lowered;
	[smem:$0x3FD2] =	sst s25  }
0xa8: {  	s6 =	sshll.u32 s26, $0x1;
	_ =	strace $0x80000046;
	[dreg:$0x1] =	wrdreg $0xFFFFFFFF  }
0xa9: {  	s28 =	simm.s32 $_size_execute0_lowered;
	s5 =	sadd.s32 s5, s6;
	[dreg:$0x0] =	wrdreg $0x0  }
0xaa: {  	s6 =	sshll.u32 s28, $0x1;
	[dreg:$0x2] =	wrdreg s5  }
0xab: {  	[dreg:$0x3] =	wrdreg s6  }
0xac: {  	[dreg:$0x4] =	wrdreg $0xC0  }
0xad: {  	_ =	task [dreg:s9], $0x5FFFF  }
0xae: {  	[dreg:$0x1] =	wrdreg $0xFFFFFFFF  }
0xaf: {  	[dreg:$0x0] =	wrdreg $0x60  }
0xb0: {  	[dreg:$0x2] =	wrdreg s19  }
0xb1: {  	[dreg:$0x3] =	wrdreg s2  }
0xb2: {  	[dreg:$0x4] =	wrdreg s4  }
0xb3: {  	[dreg:$0x5] =	wrdreg $0x9  }
0xb4: {  	_ =	task.clear_ibuf [dreg:s9], $0x6FFFF;
	_ =	strace $0x90000046  }
0xb5: {  	s29 =	simm.s32 $0x9;
	_ =	strace $0x80000048  }
0xb6: {  	_ =	swait.ge [sflag:s29], $0x1  }
0xb7: {  	[sflag:s29] =	ssyncadd.s32 $0xFFFFFFFF  }
0xb8: {  	_ =	strace $0x90000048  }
0xb9: {  	_ =	sfence  }
0xba: {  	s30 =	sld [smem:$0x0];
	_ =	sdelay $0x2  }
0xbb: {  	s31 =	sshll.u32 s1, $0xD;
	s1 =	sshrl.u32 s1, $0x2  }
0xbc: {  	s3 =	sand.u32 $0x4000, s31;
	s1 =	sadd.s32 s1, s30  }
0xbd: {  	s0 =	sor.u32 s3, s0;
	s1 =	sshll.u32 s1, $0x11  }
0xbe: {  	s0 =	sor.u32 s1, s0  }
0xbf: {  	s0 =	sadd.s32 $0x8F2B, s0  }
0xc0: {  	[sflag:s0] =	ssyncadd.remote.s32 $0x1  }
0xc1: {  	_ =	sfence.sel $0xFFFF  }
0xc2: {  	[dreg:$0x0] =	wrdreg $0xFFFFFFFF;
	(pc) =	sbr.abs _section_cstart, $3  }
0xc3: {  	[dreg:$0x1] =	wrdreg $0xFFFFFFFF  }
0xc4: {  	_ =	task.clear_ibuf [dreg:s9], $0x2FFFF;
	_ =	strace $0x9FFFFFFF  }
0xc5: {  	(tm) =	ssettm $0x7FFFFFFF  }
tec
execute0_lowered:
.L_overlay_start_1:
0x0: {  	(tag) =	ssettag $0x1  }
0x1: {  	s1 =	rddreg [dreg:$0x0]  }
0x2: {  	s2 =	srdreg.scid;
	s4 =	rddreg [dreg:$0x1]  }
0x3: {  	s0 =	stileid.u32;
	s9 =	rddreg [dreg:$0x2];
	s6 =	sand.u32 $0x1, s2  }
0x4: {  	s3 =	simm.s32 $0x0;
	s5 =	sshll.u32 s0, $0x6;
	s7 =	sshll.u32 s6, $0x5  }
0x5: {  	[smem:$0x7FF] =	sst s3;
	s10 =	sor.u32 s7, s5  }
0x6: {  	s2 =	rddreg [dreg:$0x3];
	_ =	strace $0x80000047;
	s5 =	sshrl.u32 s10, $0x3  }
0x7: {  	s11 =	ssub.s32 $0x2, s6;
	s5 =	sadd.s32 s4, s5;
	s4 =	simm.s32 $0x2  }
0x8: {  	[tilespmem:s3], [sflag:$0x2] =	stream.linear.gather [hbm4b:s5+s3], $0x20, $0x38;
	[tilespmem:$0x1080] =	vst v63  }
0x9: {  	s8 =	simm.s32 $0x1;
	s12 =	sshrl.u32 s11, $0x1;
	_ =	swait.ge [sflag:s4], $0x20  }
0xa: {  	s6 =	simm.s32 $0x20;
	s11 =	ssub.s32 s11, s12;
	[sflag:s4] =	ssyncset.done $0x0  }
0xb: {  	s7 =	simm.s32 $0x80;
	s31 =	smax.u32 s11, $0x1;
	[sflag:s4] =	ssyncadd.s32 $0xFFFFFFE0  }
0xc: {  	[tilespmem:s7], [sflag:$0x1] =	stream.indirect.gather [hbm4b:s1+s6], $0x80, s3, s6, $0xb8;
	[tilespmem:$0x1080] =	vst v63  }
0xd: {  	p0 =	sne.s32 s31, $0x1;
	_ =	swait.ge [sflag:s8], $0x1000  }
.Ltmp0:
0xe: {  	s10 =	sshll.u32 s10, $0x4;
	[sflag:s8] =	ssyncset.done $0x0;
	(pc) =	sbr.rel @!p0 .LBB2_2-.Ltmp0, $4  }
0xf: {  	s9 =	sadd.s32 s9, s10;
	[sflag:s8] =	ssyncadd.s32 $0xFFFFF000  }
0x10: {  	[hbm4b:s9+s3] =	stream.linear.scatter [tilespmem:s7], [sflag:$0x2], $0x1000, $0x38;
	[tilespmem:$0x1080] =	vst v63  }
0x11: {  	_ =	swait.ge [sflag:s4], $0x1000  }
0x12: {  	s10 =	sadd.s32 $0xFFFFFFFF, s31;
	[sflag:s4] =	ssyncset.done $0x0  }
.LBB2_1:
0x13: {  	p0 =	sne.s32 s10, $0x1;
	s10 =	sadd.s32 $0xFFFFFFFF, s10;
	[sflag:s4] =	ssyncadd.s32 $0xFFFFF000  }
0x14: {  	[tilespmem:s3], [sflag:$0x2] =	stream.linear.gather [hbm4b:s5+s3], $0x20, $0x38;
	[tilespmem:$0x1080] =	vst v63  }
0x15: {  	_ =	swait.ge [sflag:s4], $0x20  }
0x16: {  	[sflag:s4] =	ssyncset.done $0x0  }
0x17: {  	[sflag:s4] =	ssyncadd.s32 $0xFFFFFFE0  }
0x18: {  	[tilespmem:s7], [sflag:$0x1] =	stream.indirect.gather [hbm4b:s1+s6], $0x80, s3, s6, $0xb8;
	[tilespmem:$0x1080] =	vst v63  }
0x19: {  	_ =	swait.ge [sflag:s8], $0x1000  }
.Ltmp1:
0x1a: {  	[sflag:s8] =	ssyncset.done $0x0;
	(pc) =	sbr.rel @p0 .LBB2_1-.Ltmp1, $4  }
0x1b: {  	[sflag:s8] =	ssyncadd.s32 $0xFFFFF000  }
0x1c: {  	[hbm4b:s9+s3] =	stream.linear.scatter [tilespmem:s7], [sflag:$0x2], $0x1000, $0x38;
	[tilespmem:$0x1080] =	vst v63  }
0x1d: {  	_ =	swait.ge [sflag:s4], $0x1000  }
0x1e: {  	[sflag:s4] =	ssyncset.done $0x0  }
.LBB2_2:
0x1f: {  	[sflag:s4] =	ssyncadd.s32 $0xFFFFF000  }
0x20: {  	_ =	sfence.sel $0x180000  }
0x21: {  	[bflag:$0x0] =	sbarrier.arrive $0xFFFF  }
0x22: {  	p0 =	sne.s32 s0, $0x0;
	_ =	strace $0x90000047  }
0x23: {  	s0 =	sadd.s32 @!p0 $0x100000, s2;
	[bflag:$0x2] =	sbarrier.arrive $0xFFFF  }
0x24: {  	[sflag:s0] =	ssyncadd.tile.s32 @!p0 $0x1;
	_ =	shalt  }
.Lfunc_end2:
_tile_overlayer_lowered:
.L_overlay_start_2:
0x25: {  	(tag) =	ssettag $0x2  }
0x26: {  	s0 =	rddreg [dreg:$0x0];
	s2 =	stileid.u32  }
0x27: {  	s1 =	rddreg [dreg:$0x1];
	p0 =	sne.s32 s2, $0x0  }
0x28: {  	s3 =	rddreg [dreg:$0x2];
	[bflag:$0x3] =	sbarrier.arrive $0xFFFF;
	s2 =	simm.s32 @!p0 $0x1C02  }
0x29: {  	[timem:s3], [sflag:s2] =	dma.local @!p0 [hbm:s0], s1  }
0x2a: {  	s0 =	simm.s32 @!p0 $0x2  }
0x2b: {  	_ =	swait.ge @!p0 [sflag:s0], s1  }
0x2c: {  	s1 =	ssub.s32 @!p0 $0x0, s1;
	[sflag:s0] =	ssyncset.done @!p0 $0x0  }
0x2d: {  	[sflag:s0] =	ssyncadd.s32 @!p0 s1  }
0x2e: {  	[bflag:$0x3] =	sbarrier.arrive $0xFFFF  }
0x2f: {  	_ =	shalt  }

</sc_bundles>
